<compile_context>
chip_gen: v7x
topology: tpu7x:2x2x1
jax: 0.10.2.dev20260603
libtpu: 0.0.44.dev20260713+nightly
codegen_flags: <defaults>
</compile_context>

<pallas_src>
import jax
import jax.numpy as jnp
from jax import lax
from jax.experimental import pallas as pl
from jax.experimental.pallas import tpu as pltpu
from jax.experimental.pallas import tpu_sc as plsc

_NC = 2
_NS = 16
_NW = _NC * _NS
_CHUNK = 32
_NBUF = 10


def kernel(x, table):
    num_indices = x.shape[0] * x.shape[1]
    embed_dim = table.shape[1]
    n_per_w = num_indices // _NW
    n_chunks = n_per_w // _CHUNK
    indices = x.T.reshape(num_indices)

    mesh = plsc.VectorSubcoreMesh(core_axis_name="c", subcore_axis_name="s")

    @jax.jit
    @pl.kernel(
        out_type=jax.ShapeDtypeStruct((num_indices, embed_dim), jnp.float32),
        mesh=mesh,
        scratch_types=(
            [pltpu.VMEM((n_per_w,), jnp.int32)]
            + [pltpu.VMEM((_CHUNK, embed_dim), jnp.float32) for _ in range(_NBUF)]
            + [pltpu.SemaphoreType.DMA for _ in range(2 * _NBUF + 1)]
        ),
    )
    def gather_kernel(table_hbm, idx_hbm, out_hbm, idx_v, *bufs_and_sems):
        bufs = bufs_and_sems[:_NBUF]
        gsems = bufs_and_sems[_NBUF:2 * _NBUF]
        wsems = bufs_and_sems[2 * _NBUF:3 * _NBUF]
        isem = bufs_and_sems[3 * _NBUF]

        wid = lax.axis_index("s") * _NC + lax.axis_index("c")
        base = wid * n_per_w
        pltpu.async_copy(idx_hbm.at[pl.ds(base, n_per_w)], idx_v, isem).wait()

        @pl.loop(0, n_chunks, step=_NBUF)
        def _(r):
            for j in range(_NBUF):
                c = r + j
                idx_slice = idx_v.at[pl.ds(c * _CHUNK, _CHUNK)]
                out_slice = out_hbm.at[pl.ds(base + c * _CHUNK, _CHUNK)]

                @pl.when(r > 0)
                def _():
                    pltpu.make_async_copy(bufs[j], out_slice, wsems[j]).wait()

                pltpu.make_async_copy(
                    table_hbm.at[idx_slice], bufs[j], gsems[j]
                ).start()

            for j in range(_NBUF):
                c = r + j
                idx_slice = idx_v.at[pl.ds(c * _CHUNK, _CHUNK)]
                out_slice = out_hbm.at[pl.ds(base + c * _CHUNK, _CHUNK)]
                pltpu.make_async_copy(
                    table_hbm.at[idx_slice], bufs[j], gsems[j]
                ).wait()
                pltpu.make_async_copy(bufs[j], out_slice, wsems[j]).start()

        for j in range(_NBUF):
            c = n_chunks - _NBUF + j
            out_slice = out_hbm.at[pl.ds(base + c * _CHUNK, _CHUNK)]
            pltpu.make_async_copy(bufs[j], out_slice, wsems[j]).wait()

    out = gather_kernel(table, indices)
    return out.reshape(x.shape[1], x.shape[0], embed_dim).transpose(1, 0, 2)

# --- scband reference (transcript-rebuilt; emitter-appended) ---
"""Pipeline reference for scband-token-model-73323681677483 (READ-ONLY COPY).

The authoritative reference and input builder live on the scoring server;
editing this copy changes nothing except your own understanding.
"""

import jax, jax.numpy as jnp
import numpy as np

VOCAB = 6067
EMBED_DIM = 256

def setup_inputs(seed: int = 0) -> dict:
    key = jax.random.key(seed)
    k1, k2 = jax.random.split(key)
    x = jax.random.randint(k1, (4096, 50), 0, VOCAB, dtype=jnp.int32)
    # Learned embedding table (keras Embedding default: uniform init)
    table = jax.random.uniform(k2, (VOCAB, EMBED_DIM), dtype=jnp.float32, minval=-0.05, maxval=0.05)
    return {"x": x, "table": table}

def reference(x, table):
    # tf.keras.layers.Embedding forward: pure gather on axis 0.
    # mask_zero=True only produces a keras mask side-channel; the returned
    # embedding values are an unmasked gather, so the faithful forward is table[x].
    embed = jnp.take(table, x, axis=0)
    return embed

if __name__ == "__main__":
    import jax
    _d = setup_inputs()
    print(jax.jit(kernel)(*tuple(_d.values())))

</pallas_src>

<mosaic_0001>
#map = affine_map<(d0, d1) -> (0, 0)>
#map1 = affine_map<(d0, d1) -> (0)>
module attributes {stable_mosaic.version = 14 : i64} {
  func.func @gather_kernel(%arg0: i32, %arg1: i32, %arg2: memref<6067x256xf32, #tpu.memory_space<hbm>>, %arg3: memref<204800xi32, #tpu.memory_space<hbm>>, %arg4: memref<204800x256xf32, #tpu.memory_space<hbm>>, %arg5: memref<6400xi32, #tpu.memory_space<vmem>>, %arg6: memref<32x256xf32, #tpu.memory_space<vmem>>, %arg7: memref<32x256xf32, #tpu.memory_space<vmem>>, %arg8: memref<32x256xf32, #tpu.memory_space<vmem>>, %arg9: memref<32x256xf32, #tpu.memory_space<vmem>>, %arg10: memref<32x256xf32, #tpu.memory_space<vmem>>, %arg11: memref<32x256xf32, #tpu.memory_space<vmem>>, %arg12: memref<32x256xf32, #tpu.memory_space<vmem>>, %arg13: memref<32x256xf32, #tpu.memory_space<vmem>>, %arg14: memref<32x256xf32, #tpu.memory_space<vmem>>, %arg15: memref<32x256xf32, #tpu.memory_space<vmem>>, %arg16: memref<!tpu.dma_semaphore, #tpu.memory_space<semaphore_mem>>, %arg17: memref<!tpu.dma_semaphore, #tpu.memory_space<semaphore_mem>>, %arg18: memref<!tpu.dma_semaphore, #tpu.memory_space<semaphore_mem>>, %arg19: memref<!tpu.dma_semaphore, #tpu.memory_space<semaphore_mem>>, %arg20: memref<!tpu.dma_semaphore, #tpu.memory_space<semaphore_mem>>, %arg21: memref<!tpu.dma_semaphore, #tpu.memory_space<semaphore_mem>>, %arg22: memref<!tpu.dma_semaphore, #tpu.memory_space<semaphore_mem>>, %arg23: memref<!tpu.dma_semaphore, #tpu.memory_space<semaphore_mem>>, %arg24: memref<!tpu.dma_semaphore, #tpu.memory_space<semaphore_mem>>, %arg25: memref<!tpu.dma_semaphore, #tpu.memory_space<semaphore_mem>>, %arg26: memref<!tpu.dma_semaphore, #tpu.memory_space<semaphore_mem>>, %arg27: memref<!tpu.dma_semaphore, #tpu.memory_space<semaphore_mem>>, %arg28: memref<!tpu.dma_semaphore, #tpu.memory_space<semaphore_mem>>, %arg29: memref<!tpu.dma_semaphore, #tpu.memory_space<semaphore_mem>>, %arg30: memref<!tpu.dma_semaphore, #tpu.memory_space<semaphore_mem>>, %arg31: memref<!tpu.dma_semaphore, #tpu.memory_space<semaphore_mem>>, %arg32: memref<!tpu.dma_semaphore, #tpu.memory_space<semaphore_mem>>, %arg33: memref<!tpu.dma_semaphore, #tpu.memory_space<semaphore_mem>>, %arg34: memref<!tpu.dma_semaphore, #tpu.memory_space<semaphore_mem>>, %arg35: memref<!tpu.dma_semaphore, #tpu.memory_space<semaphore_mem>>, %arg36: memref<!tpu.dma_semaphore, #tpu.memory_space<semaphore_mem>>) attributes {dimension_semantics = [#tpu.dimension_semantics<core_parallel>, #tpu.dimension_semantics<subcore_parallel>], iteration_bounds = array<i64: 2, 16>, scalar_prefetch = 0 : i64, scratch_operands = 32 : i64, tpu.core_type = #tpu.core_type<sc_vector_subcore>, window_params = [{transform_indices = #map}, {transform_indices = #map1}, {transform_indices = #map}]} {
    %mul3A = arith.constant 2 : i32
    %mul3A_0 = arith.muli %arg1, %mul3A : i32
    %add3A = arith.addi %mul3A_0, %arg0 : i32
    %mul3A_1 = arith.constant 6400 : i32
    %mul3A_2 = arith.muli %add3A, %mul3A_1 : i32
    %dma_start3A = tpu.memref_slice %arg3[%mul3A_2] : memref<204800xi32, #tpu.memory_space<hbm>> -> memref<6400xi32, #tpu.memory_space<hbm>>
    %dma_start3A_3 = tpu.memref_slice %arg3[%mul3A_2] : memref<204800xi32, #tpu.memory_space<hbm>> -> memref<6400xi32, #tpu.memory_space<hbm>>
    tpu.enqueue_dma source(%dma_start3A_3 : memref<6400xi32, #tpu.memory_space<hbm>>) target(%arg5 : memref<6400xi32, #tpu.memory_space<vmem>>) target_semaphore(%arg36 : memref<!tpu.dma_semaphore, #tpu.memory_space<semaphore_mem>>)
    %dma_wait3A = tpu.memref_slice %arg3[%mul3A_2] : memref<204800xi32, #tpu.memory_space<hbm>> -> memref<6400xi32, #tpu.memory_space<hbm>>
    %dma_wait3A_4 = tpu.memref_slice %arg3[%mul3A_2] : memref<204800xi32, #tpu.memory_space<hbm>> -> memref<6400xi32, #tpu.memory_space<hbm>>
    tpu.wait_dma2 semaphore(%arg36 : memref<!tpu.dma_semaphore, #tpu.memory_space<semaphore_mem>>) src(%dma_wait3A_4 : memref<6400xi32, #tpu.memory_space<hbm>>) dst(%arg5 : memref<6400xi32, #tpu.memory_space<vmem>>)
    %scan3A = arith.constant 0 : i32
    %scan3A_5 = arith.constant 20 : i32
    %scan3A_6 = arith.addi %scan3A, %scan3A_5 : i32
    %scan3A_7 = arith.constant 1 : i32
    scf.for %scan3A_69 = %scan3A to %scan3A_6 step %scan3A_7  : i32 {
      %mul3A_70 = arith.constant 10 : i32
      %mul3A_71 = arith.muli %scan3A_69, %mul3A_70 : i32
      %add3A_72 = arith.constant 0 : i32
      %add3A_73 = arith.addi %add3A_72, %mul3A_71 : i32
      %add3A_74 = arith.constant 0 : i32
      %add3A_75 = arith.addi %add3A_73, %add3A_74 : i32
      %mul3A_76 = arith.constant 32 : i32
      %mul3A_77 = arith.muli %add3A_75, %mul3A_76 : i32
      %mul3A_78 = arith.constant 32 : i32
      %mul3A_79 = arith.muli %add3A_75, %mul3A_78 : i32
      %add3A_80 = arith.addi %mul3A_2, %mul3A_79 : i32
      %gt3A = arith.constant 0 : i32
      %gt3A_81 = arith.cmpi sgt, %add3A_73, %gt3A : i32
      %convert_element_type3A = arith.extui %gt3A_81 : i1 to i32
      %cond3A = arith.constant 0 : i32
      %cond3A_82 = arith.cmpi ne, %convert_element_type3A, %cond3A : i32
      scf.if %cond3A_82 {
        %dma_wait3A_381 = arith.constant 0 : i32
        %dma_wait3A_382 = tpu.memref_slice %arg4[%add3A_80, %dma_wait3A_381] : memref<204800x256xf32, #tpu.memory_space<hbm>> -> memref<32x256xf32, #tpu.memory_space<hbm>>
        %dma_wait3A_383 = arith.constant 0 : i32
        %dma_wait3A_384 = tpu.memref_slice %arg4[%add3A_80, %dma_wait3A_383] : memref<204800x256xf32, #tpu.memory_space<hbm>> -> memref<32x256xf32, #tpu.memory_space<hbm>>
        tpu.wait_dma2 semaphore(%arg26 : memref<!tpu.dma_semaphore, #tpu.memory_space<semaphore_mem>>) src(%arg6 : memref<32x256xf32, #tpu.memory_space<vmem>>) dst(%dma_wait3A_384 : memref<32x256xf32, #tpu.memory_space<hbm>>)
      } else {
      }
      %dma_start3A_83 = tpu.memref_slice %arg5[%mul3A_77] : memref<6400xi32, #tpu.memory_space<vmem>> -> memref<32xi32, #tpu.memory_space<vmem>>
      %dma_start3A_84 = arith.constant 0 : i32
      %dma_start3A_85 = arith.constant 0 : i32
      %dma_start3A_86 = tpu.memref_slice %arg2[%dma_start3A_84, %dma_start3A_85] : memref<6067x256xf32, #tpu.memory_space<hbm>> -> memref<6067x256xf32, #tpu.memory_space<hbm>>
      tpu.enqueue_indirect_dma source(%dma_start3A_86 : memref<6067x256xf32, #tpu.memory_space<hbm>>) target(%arg6 : memref<32x256xf32, #tpu.memory_space<vmem>>) offsets(%dma_start3A_83 : memref<32xi32, #tpu.memory_space<vmem>>) semaphore(%arg16 : memref<!tpu.dma_semaphore, #tpu.memory_space<semaphore_mem>>)
      %add3A_87 = arith.constant 1 : i32
      %add3A_88 = arith.addi %add3A_73, %add3A_87 : i32
      %mul3A_89 = arith.constant 32 : i32
      %mul3A_90 = arith.muli %add3A_88, %mul3A_89 : i32
      %mul3A_91 = arith.constant 32 : i32
      %mul3A_92 = arith.muli %add3A_88, %mul3A_91 : i32
      %add3A_93 = arith.addi %mul3A_2, %mul3A_92 : i32
      %gt3A_94 = arith.constant 0 : i32
      %gt3A_95 = arith.cmpi sgt, %add3A_73, %gt3A_94 : i32
      %convert_element_type3A_96 = arith.extui %gt3A_95 : i1 to i32
      %cond3A_97 = arith.constant 0 : i32
      %cond3A_98 = arith.cmpi ne, %convert_element_type3A_96, %cond3A_97 : i32
      scf.if %cond3A_98 {
        %dma_wait3A_381 = arith.constant 0 : i32
        %dma_wait3A_382 = tpu.memref_slice %arg4[%add3A_93, %dma_wait3A_381] : memref<204800x256xf32, #tpu.memory_space<hbm>> -> memref<32x256xf32, #tpu.memory_space<hbm>>
        %dma_wait3A_383 = arith.constant 0 : i32
        %dma_wait3A_384 = tpu.memref_slice %arg4[%add3A_93, %dma_wait3A_383] : memref<204800x256xf32, #tpu.memory_space<hbm>> -> memref<32x256xf32, #tpu.memory_space<hbm>>
        tpu.wait_dma2 semaphore(%arg27 : memref<!tpu.dma_semaphore, #tpu.memory_space<semaphore_mem>>) src(%arg7 : memref<32x256xf32, #tpu.memory_space<vmem>>) dst(%dma_wait3A_384 : memref<32x256xf32, #tpu.memory_space<hbm>>)
      } else {
      }
      %dma_start3A_99 = tpu.memref_slice %arg5[%mul3A_90] : memref<6400xi32, #tpu.memory_space<vmem>> -> memref<32xi32, #tpu.memory_space<vmem>>
      %dma_start3A_100 = arith.constant 0 : i32
      %dma_start3A_101 = arith.constant 0 : i32
      %dma_start3A_102 = tpu.memref_slice %arg2[%dma_start3A_100, %dma_start3A_101] : memref<6067x256xf32, #tpu.memory_space<hbm>> -> memref<6067x256xf32, #tpu.memory_space<hbm>>
      tpu.enqueue_indirect_dma source(%dma_start3A_102 : memref<6067x256xf32, #tpu.memory_space<hbm>>) target(%arg7 : memref<32x256xf32, #tpu.memory_space<vmem>>) offsets(%dma_start3A_99 : memref<32xi32, #tpu.memory_space<vmem>>) semaphore(%arg17 : memref<!tpu.dma_semaphore, #tpu.memory_space<semaphore_mem>>)
      %add3A_103 = arith.constant 2 : i32
      %add3A_104 = arith.addi %add3A_73, %add3A_103 : i32
      %mul3A_105 = arith.constant 32 : i32
      %mul3A_106 = arith.muli %add3A_104, %mul3A_105 : i32
      %mul3A_107 = arith.constant 32 : i32
      %mul3A_108 = arith.muli %add3A_104, %mul3A_107 : i32
      %add3A_109 = arith.addi %mul3A_2, %mul3A_108 : i32
      %gt3A_110 = arith.constant 0 : i32
      %gt3A_111 = arith.cmpi sgt, %add3A_73, %gt3A_110 : i32
      %convert_element_type3A_112 = arith.extui %gt3A_111 : i1 to i32
      %cond3A_113 = arith.constant 0 : i32
      %cond3A_114 = arith.cmpi ne, %convert_element_type3A_112, %cond3A_113 : i32
      scf.if %cond3A_114 {
        %dma_wait3A_381 = arith.constant 0 : i32
        %dma_wait3A_382 = tpu.memref_slice %arg4[%add3A_109, %dma_wait3A_381] : memref<204800x256xf32, #tpu.memory_space<hbm>> -> memref<32x256xf32, #tpu.memory_space<hbm>>
        %dma_wait3A_383 = arith.constant 0 : i32
        %dma_wait3A_384 = tpu.memref_slice %arg4[%add3A_109, %dma_wait3A_383] : memref<204800x256xf32, #tpu.memory_space<hbm>> -> memref<32x256xf32, #tpu.memory_space<hbm>>
        tpu.wait_dma2 semaphore(%arg28 : memref<!tpu.dma_semaphore, #tpu.memory_space<semaphore_mem>>) src(%arg8 : memref<32x256xf32, #tpu.memory_space<vmem>>) dst(%dma_wait3A_384 : memref<32x256xf32, #tpu.memory_space<hbm>>)
      } else {
      }
      %dma_start3A_115 = tpu.memref_slice %arg5[%mul3A_106] : memref<6400xi32, #tpu.memory_space<vmem>> -> memref<32xi32, #tpu.memory_space<vmem>>
      %dma_start3A_116 = arith.constant 0 : i32
      %dma_start3A_117 = arith.constant 0 : i32
      %dma_start3A_118 = tpu.memref_slice %arg2[%dma_start3A_116, %dma_start3A_117] : memref<6067x256xf32, #tpu.memory_space<hbm>> -> memref<6067x256xf32, #tpu.memory_space<hbm>>
      tpu.enqueue_indirect_dma source(%dma_start3A_118 : memref<6067x256xf32, #tpu.memory_space<hbm>>) target(%arg8 : memref<32x256xf32, #tpu.memory_space<vmem>>) offsets(%dma_start3A_115 : memref<32xi32, #tpu.memory_space<vmem>>) semaphore(%arg18 : memref<!tpu.dma_semaphore, #tpu.memory_space<semaphore_mem>>)
      %add3A_119 = arith.constant 3 : i32
      %add3A_120 = arith.addi %add3A_73, %add3A_119 : i32
      %mul3A_121 = arith.constant 32 : i32
      %mul3A_122 = arith.muli %add3A_120, %mul3A_121 : i32
      %mul3A_123 = arith.constant 32 : i32
      %mul3A_124 = arith.muli %add3A_120, %mul3A_123 : i32
      %add3A_125 = arith.addi %mul3A_2, %mul3A_124 : i32
      %gt3A_126 = arith.constant 0 : i32
      %gt3A_127 = arith.cmpi sgt, %add3A_73, %gt3A_126 : i32
      %convert_element_type3A_128 = arith.extui %gt3A_127 : i1 to i32
      %cond3A_129 = arith.constant 0 : i32
      %cond3A_130 = arith.cmpi ne, %convert_element_type3A_128, %cond3A_129 : i32
      scf.if %cond3A_130 {
        %dma_wait3A_381 = arith.constant 0 : i32
        %dma_wait3A_382 = tpu.memref_slice %arg4[%add3A_125, %dma_wait3A_381] : memref<204800x256xf32, #tpu.memory_space<hbm>> -> memref<32x256xf32, #tpu.memory_space<hbm>>
        %dma_wait3A_383 = arith.constant 0 : i32
        %dma_wait3A_384 = tpu.memref_slice %arg4[%add3A_125, %dma_wait3A_383] : memref<204800x256xf32, #tpu.memory_space<hbm>> -> memref<32x256xf32, #tpu.memory_space<hbm>>
        tpu.wait_dma2 semaphore(%arg29 : memref<!tpu.dma_semaphore, #tpu.memory_space<semaphore_mem>>) src(%arg9 : memref<32x256xf32, #tpu.memory_space<vmem>>) dst(%dma_wait3A_384 : memref<32x256xf32, #tpu.memory_space<hbm>>)
      } else {
      }
      %dma_start3A_131 = tpu.memref_slice %arg5[%mul3A_122] : memref<6400xi32, #tpu.memory_space<vmem>> -> memref<32xi32, #tpu.memory_space<vmem>>
      %dma_start3A_132 = arith.constant 0 : i32
      %dma_start3A_133 = arith.constant 0 : i32
      %dma_start3A_134 = tpu.memref_slice %arg2[%dma_start3A_132, %dma_start3A_133] : memref<6067x256xf32, #tpu.memory_space<hbm>> -> memref<6067x256xf32, #tpu.memory_space<hbm>>
      tpu.enqueue_indirect_dma source(%dma_start3A_134 : memref<6067x256xf32, #tpu.memory_space<hbm>>) target(%arg9 : memref<32x256xf32, #tpu.memory_space<vmem>>) offsets(%dma_start3A_131 : memref<32xi32, #tpu.memory_space<vmem>>) semaphore(%arg19 : memref<!tpu.dma_semaphore, #tpu.memory_space<semaphore_mem>>)
      %add3A_135 = arith.constant 4 : i32
      %add3A_136 = arith.addi %add3A_73, %add3A_135 : i32
      %mul3A_137 = arith.constant 32 : i32
      %mul3A_138 = arith.muli %add3A_136, %mul3A_137 : i32
      %mul3A_139 = arith.constant 32 : i32
      %mul3A_140 = arith.muli %add3A_136, %mul3A_139 : i32
      %add3A_141 = arith.addi %mul3A_2, %mul3A_140 : i32
      %gt3A_142 = arith.constant 0 : i32
      %gt3A_143 = arith.cmpi sgt, %add3A_73, %gt3A_142 : i32
      %convert_element_type3A_144 = arith.extui %gt3A_143 : i1 to i32
      %cond3A_145 = arith.constant 0 : i32
      %cond3A_146 = arith.cmpi ne, %convert_element_type3A_144, %cond3A_145 : i32
      scf.if %cond3A_146 {
        %dma_wait3A_381 = arith.constant 0 : i32
        %dma_wait3A_382 = tpu.memref_slice %arg4[%add3A_141, %dma_wait3A_381] : memref<204800x256xf32, #tpu.memory_space<hbm>> -> memref<32x256xf32, #tpu.memory_space<hbm>>
        %dma_wait3A_383 = arith.constant 0 : i32
        %dma_wait3A_384 = tpu.memref_slice %arg4[%add3A_141, %dma_wait3A_383] : memref<204800x256xf32, #tpu.memory_space<hbm>> -> memref<32x256xf32, #tpu.memory_space<hbm>>
        tpu.wait_dma2 semaphore(%arg30 : memref<!tpu.dma_semaphore, #tpu.memory_space<semaphore_mem>>) src(%arg10 : memref<32x256xf32, #tpu.memory_space<vmem>>) dst(%dma_wait3A_384 : memref<32x256xf32, #tpu.memory_space<hbm>>)
      } else {
      }
      %dma_start3A_147 = tpu.memref_slice %arg5[%mul3A_138] : memref<6400xi32, #tpu.memory_space<vmem>> -> memref<32xi32, #tpu.memory_space<vmem>>
      %dma_start3A_148 = arith.constant 0 : i32
      %dma_start3A_149 = arith.constant 0 : i32
      %dma_start3A_150 = tpu.memref_slice %arg2[%dma_start3A_148, %dma_start3A_149] : memref<6067x256xf32, #tpu.memory_space<hbm>> -> memref<6067x256xf32, #tpu.memory_space<hbm>>
      tpu.enqueue_indirect_dma source(%dma_start3A_150 : memref<6067x256xf32, #tpu.memory_space<hbm>>) target(%arg10 : memref<32x256xf32, #tpu.memory_space<vmem>>) offsets(%dma_start3A_147 : memref<32xi32, #tpu.memory_space<vmem>>) semaphore(%arg20 : memref<!tpu.dma_semaphore, #tpu.memory_space<semaphore_mem>>)
      %add3A_151 = arith.constant 5 : i32
      %add3A_152 = arith.addi %add3A_73, %add3A_151 : i32
      %mul3A_153 = arith.constant 32 : i32
      %mul3A_154 = arith.muli %add3A_152, %mul3A_153 : i32
      %mul3A_155 = arith.constant 32 : i32
      %mul3A_156 = arith.muli %add3A_152, %mul3A_155 : i32
      %add3A_157 = arith.addi %mul3A_2, %mul3A_156 : i32
      %gt3A_158 = arith.constant 0 : i32
      %gt3A_159 = arith.cmpi sgt, %add3A_73, %gt3A_158 : i32
      %convert_element_type3A_160 = arith.extui %gt3A_159 : i1 to i32
      %cond3A_161 = arith.constant 0 : i32
      %cond3A_162 = arith.cmpi ne, %convert_element_type3A_160, %cond3A_161 : i32
      scf.if %cond3A_162 {
        %dma_wait3A_381 = arith.constant 0 : i32
        %dma_wait3A_382 = tpu.memref_slice %arg4[%add3A_157, %dma_wait3A_381] : memref<204800x256xf32, #tpu.memory_space<hbm>> -> memref<32x256xf32, #tpu.memory_space<hbm>>
        %dma_wait3A_383 = arith.constant 0 : i32
        %dma_wait3A_384 = tpu.memref_slice %arg4[%add3A_157, %dma_wait3A_383] : memref<204800x256xf32, #tpu.memory_space<hbm>> -> memref<32x256xf32, #tpu.memory_space<hbm>>
        tpu.wait_dma2 semaphore(%arg31 : memref<!tpu.dma_semaphore, #tpu.memory_space<semaphore_mem>>) src(%arg11 : memref<32x256xf32, #tpu.memory_space<vmem>>) dst(%dma_wait3A_384 : memref<32x256xf32, #tpu.memory_space<hbm>>)
      } else {
      }
      %dma_start3A_163 = tpu.memref_slice %arg5[%mul3A_154] : memref<6400xi32, #tpu.memory_space<vmem>> -> memref<32xi32, #tpu.memory_space<vmem>>
      %dma_start3A_164 = arith.constant 0 : i32
      %dma_start3A_165 = arith.constant 0 : i32
      %dma_start3A_166 = tpu.memref_slice %arg2[%dma_start3A_164, %dma_start3A_165] : memref<6067x256xf32, #tpu.memory_space<hbm>> -> memref<6067x256xf32, #tpu.memory_space<hbm>>
      tpu.enqueue_indirect_dma source(%dma_start3A_166 : memref<6067x256xf32, #tpu.memory_space<hbm>>) target(%arg11 : memref<32x256xf32, #tpu.memory_space<vmem>>) offsets(%dma_start3A_163 : memref<32xi32, #tpu.memory_space<vmem>>) semaphore(%arg21 : memref<!tpu.dma_semaphore, #tpu.memory_space<semaphore_mem>>)
      %add3A_167 = arith.constant 6 : i32
      %add3A_168 = arith.addi %add3A_73, %add3A_167 : i32
      %mul3A_169 = arith.constant 32 : i32
      %mul3A_170 = arith.muli %add3A_168, %mul3A_169 : i32
      %mul3A_171 = arith.constant 32 : i32
      %mul3A_172 = arith.muli %add3A_168, %mul3A_171 : i32
      %add3A_173 = arith.addi %mul3A_2, %mul3A_172 : i32
      %gt3A_174 = arith.constant 0 : i32
      %gt3A_175 = arith.cmpi sgt, %add3A_73, %gt3A_174 : i32
      %convert_element_type3A_176 = arith.extui %gt3A_175 : i1 to i32
      %cond3A_177 = arith.constant 0 : i32
      %cond3A_178 = arith.cmpi ne, %convert_element_type3A_176, %cond3A_177 : i32
      scf.if %cond3A_178 {
        %dma_wait3A_381 = arith.constant 0 : i32
        %dma_wait3A_382 = tpu.memref_slice %arg4[%add3A_173, %dma_wait3A_381] : memref<204800x256xf32, #tpu.memory_space<hbm>> -> memref<32x256xf32, #tpu.memory_space<hbm>>
        %dma_wait3A_383 = arith.constant 0 : i32
        %dma_wait3A_384 = tpu.memref_slice %arg4[%add3A_173, %dma_wait3A_383] : memref<204800x256xf32, #tpu.memory_space<hbm>> -> memref<32x256xf32, #tpu.memory_space<hbm>>
        tpu.wait_dma2 semaphore(%arg32 : memref<!tpu.dma_semaphore, #tpu.memory_space<semaphore_mem>>) src(%arg12 : memref<32x256xf32, #tpu.memory_space<vmem>>) dst(%dma_wait3A_384 : memref<32x256xf32, #tpu.memory_space<hbm>>)
      } else {
      }
      %dma_start3A_179 = tpu.memref_slice %arg5[%mul3A_170] : memref<6400xi32, #tpu.memory_space<vmem>> -> memref<32xi32, #tpu.memory_space<vmem>>
      %dma_start3A_180 = arith.constant 0 : i32
      %dma_start3A_181 = arith.constant 0 : i32
      %dma_start3A_182 = tpu.memref_slice %arg2[%dma_start3A_180, %dma_start3A_181] : memref<6067x256xf32, #tpu.memory_space<hbm>> -> memref<6067x256xf32, #tpu.memory_space<hbm>>
      tpu.enqueue_indirect_dma source(%dma_start3A_182 : memref<6067x256xf32, #tpu.memory_space<hbm>>) target(%arg12 : memref<32x256xf32, #tpu.memory_space<vmem>>) offsets(%dma_start3A_179 : memref<32xi32, #tpu.memory_space<vmem>>) semaphore(%arg22 : memref<!tpu.dma_semaphore, #tpu.memory_space<semaphore_mem>>)
      %add3A_183 = arith.constant 7 : i32
      %add3A_184 = arith.addi %add3A_73, %add3A_183 : i32
      %mul3A_185 = arith.constant 32 : i32
      %mul3A_186 = arith.muli %add3A_184, %mul3A_185 : i32
      %mul3A_187 = arith.constant 32 : i32
      %mul3A_188 = arith.muli %add3A_184, %mul3A_187 : i32
      %add3A_189 = arith.addi %mul3A_2, %mul3A_188 : i32
      %gt3A_190 = arith.constant 0 : i32
      %gt3A_191 = arith.cmpi sgt, %add3A_73, %gt3A_190 : i32
      %convert_element_type3A_192 = arith.extui %gt3A_191 : i1 to i32
      %cond3A_193 = arith.constant 0 : i32
      %cond3A_194 = arith.cmpi ne, %convert_element_type3A_192, %cond3A_193 : i32
      scf.if %cond3A_194 {
        %dma_wait3A_381 = arith.constant 0 : i32
        %dma_wait3A_382 = tpu.memref_slice %arg4[%add3A_189, %dma_wait3A_381] : memref<204800x256xf32, #tpu.memory_space<hbm>> -> memref<32x256xf32, #tpu.memory_space<hbm>>
        %dma_wait3A_383 = arith.constant 0 : i32
        %dma_wait3A_384 = tpu.memref_slice %arg4[%add3A_189, %dma_wait3A_383] : memref<204800x256xf32, #tpu.memory_space<hbm>> -> memref<32x256xf32, #tpu.memory_space<hbm>>
        tpu.wait_dma2 semaphore(%arg33 : memref<!tpu.dma_semaphore, #tpu.memory_space<semaphore_mem>>) src(%arg13 : memref<32x256xf32, #tpu.memory_space<vmem>>) dst(%dma_wait3A_384 : memref<32x256xf32, #tpu.memory_space<hbm>>)
      } else {
      }
      %dma_start3A_195 = tpu.memref_slice %arg5[%mul3A_186] : memref<6400xi32, #tpu.memory_space<vmem>> -> memref<32xi32, #tpu.memory_space<vmem>>
      %dma_start3A_196 = arith.constant 0 : i32
      %dma_start3A_197 = arith.constant 0 : i32
      %dma_start3A_198 = tpu.memref_slice %arg2[%dma_start3A_196, %dma_start3A_197] : memref<6067x256xf32, #tpu.memory_space<hbm>> -> memref<6067x256xf32, #tpu.memory_space<hbm>>
      tpu.enqueue_indirect_dma source(%dma_start3A_198 : memref<6067x256xf32, #tpu.memory_space<hbm>>) target(%arg13 : memref<32x256xf32, #tpu.memory_space<vmem>>) offsets(%dma_start3A_195 : memref<32xi32, #tpu.memory_space<vmem>>) semaphore(%arg23 : memref<!tpu.dma_semaphore, #tpu.memory_space<semaphore_mem>>)
      %add3A_199 = arith.constant 8 : i32
      %add3A_200 = arith.addi %add3A_73, %add3A_199 : i32
      %mul3A_201 = arith.constant 32 : i32
      %mul3A_202 = arith.muli %add3A_200, %mul3A_201 : i32
      %mul3A_203 = arith.constant 32 : i32
      %mul3A_204 = arith.muli %add3A_200, %mul3A_203 : i32
      %add3A_205 = arith.addi %mul3A_2, %mul3A_204 : i32
      %gt3A_206 = arith.constant 0 : i32
      %gt3A_207 = arith.cmpi sgt, %add3A_73, %gt3A_206 : i32
      %convert_element_type3A_208 = arith.extui %gt3A_207 : i1 to i32
      %cond3A_209 = arith.constant 0 : i32
      %cond3A_210 = arith.cmpi ne, %convert_element_type3A_208, %cond3A_209 : i32
      scf.if %cond3A_210 {
        %dma_wait3A_381 = arith.constant 0 : i32
        %dma_wait3A_382 = tpu.memref_slice %arg4[%add3A_205, %dma_wait3A_381] : memref<204800x256xf32, #tpu.memory_space<hbm>> -> memref<32x256xf32, #tpu.memory_space<hbm>>
        %dma_wait3A_383 = arith.constant 0 : i32
        %dma_wait3A_384 = tpu.memref_slice %arg4[%add3A_205, %dma_wait3A_383] : memref<204800x256xf32, #tpu.memory_space<hbm>> -> memref<32x256xf32, #tpu.memory_space<hbm>>
        tpu.wait_dma2 semaphore(%arg34 : memref<!tpu.dma_semaphore, #tpu.memory_space<semaphore_mem>>) src(%arg14 : memref<32x256xf32, #tpu.memory_space<vmem>>) dst(%dma_wait3A_384 : memref<32x256xf32, #tpu.memory_space<hbm>>)
      } else {
      }
      %dma_start3A_211 = tpu.memref_slice %arg5[%mul3A_202] : memref<6400xi32, #tpu.memory_space<vmem>> -> memref<32xi32, #tpu.memory_space<vmem>>
      %dma_start3A_212 = arith.constant 0 : i32
      %dma_start3A_213 = arith.constant 0 : i32
      %dma_start3A_214 = tpu.memref_slice %arg2[%dma_start3A_212, %dma_start3A_213] : memref<6067x256xf32, #tpu.memory_space<hbm>> -> memref<6067x256xf32, #tpu.memory_space<hbm>>
      tpu.enqueue_indirect_dma source(%dma_start3A_214 : memref<6067x256xf32, #tpu.memory_space<hbm>>) target(%arg14 : memref<32x256xf32, #tpu.memory_space<vmem>>) offsets(%dma_start3A_211 : memref<32xi32, #tpu.memory_space<vmem>>) semaphore(%arg24 : memref<!tpu.dma_semaphore, #tpu.memory_space<semaphore_mem>>)
      %add3A_215 = arith.constant 9 : i32
      %add3A_216 = arith.addi %add3A_73, %add3A_215 : i32
      %mul3A_217 = arith.constant 32 : i32
      %mul3A_218 = arith.muli %add3A_216, %mul3A_217 : i32
      %mul3A_219 = arith.constant 32 : i32
      %mul3A_220 = arith.muli %add3A_216, %mul3A_219 : i32
      %add3A_221 = arith.addi %mul3A_2, %mul3A_220 : i32
      %gt3A_222 = arith.constant 0 : i32
      %gt3A_223 = arith.cmpi sgt, %add3A_73, %gt3A_222 : i32
      %convert_element_type3A_224 = arith.extui %gt3A_223 : i1 to i32
      %cond3A_225 = arith.constant 0 : i32
      %cond3A_226 = arith.cmpi ne, %convert_element_type3A_224, %cond3A_225 : i32
      scf.if %cond3A_226 {
        %dma_wait3A_381 = arith.constant 0 : i32
        %dma_wait3A_382 = tpu.memref_slice %arg4[%add3A_221, %dma_wait3A_381] : memref<204800x256xf32, #tpu.memory_space<hbm>> -> memref<32x256xf32, #tpu.memory_space<hbm>>
        %dma_wait3A_383 = arith.constant 0 : i32
        %dma_wait3A_384 = tpu.memref_slice %arg4[%add3A_221, %dma_wait3A_383] : memref<204800x256xf32, #tpu.memory_space<hbm>> -> memref<32x256xf32, #tpu.memory_space<hbm>>
        tpu.wait_dma2 semaphore(%arg35 : memref<!tpu.dma_semaphore, #tpu.memory_space<semaphore_mem>>) src(%arg15 : memref<32x256xf32, #tpu.memory_space<vmem>>) dst(%dma_wait3A_384 : memref<32x256xf32, #tpu.memory_space<hbm>>)
      } else {
      }
      %dma_start3A_227 = tpu.memref_slice %arg5[%mul3A_218] : memref<6400xi32, #tpu.memory_space<vmem>> -> memref<32xi32, #tpu.memory_space<vmem>>
      %dma_start3A_228 = arith.constant 0 : i32
      %dma_start3A_229 = arith.constant 0 : i32
      %dma_start3A_230 = tpu.memref_slice %arg2[%dma_start3A_228, %dma_start3A_229] : memref<6067x256xf32, #tpu.memory_space<hbm>> -> memref<6067x256xf32, #tpu.memory_space<hbm>>
      tpu.enqueue_indirect_dma source(%dma_start3A_230 : memref<6067x256xf32, #tpu.memory_space<hbm>>) target(%arg15 : memref<32x256xf32, #tpu.memory_space<vmem>>) offsets(%dma_start3A_227 : memref<32xi32, #tpu.memory_space<vmem>>) semaphore(%arg25 : memref<!tpu.dma_semaphore, #tpu.memory_space<semaphore_mem>>)
      %add3A_231 = arith.constant 0 : i32
      %add3A_232 = arith.addi %add3A_73, %add3A_231 : i32
      %mul3A_233 = arith.constant 32 : i32
      %mul3A_234 = arith.muli %add3A_232, %mul3A_233 : i32
      %mul3A_235 = arith.constant 32 : i32
      %mul3A_236 = arith.muli %add3A_232, %mul3A_235 : i32
      %add3A_237 = arith.addi %mul3A_2, %mul3A_236 : i32
      %dma_wait3A_238 = tpu.memref_slice %arg5[%mul3A_234] : memref<6400xi32, #tpu.memory_space<vmem>> -> memref<32xi32, #tpu.memory_space<vmem>>
      %dma_wait3A_239 = arith.constant 0 : i32
      %dma_wait3A_240 = arith.constant 0 : i32
      %dma_wait3A_241 = tpu.memref_slice %arg2[%dma_wait3A_239, %dma_wait3A_240] : memref<6067x256xf32, #tpu.memory_space<hbm>> -> memref<6067x256xf32, #tpu.memory_space<hbm>>
      tpu.wait_indirect_dma semaphore(%arg16 : memref<!tpu.dma_semaphore, #tpu.memory_space<semaphore_mem>>) src(%dma_wait3A_241 : memref<6067x256xf32, #tpu.memory_space<hbm>>) dst(%arg6 : memref<32x256xf32, #tpu.memory_space<vmem>>)
      %dma_start3A_242 = arith.constant 0 : i32
      %dma_start3A_243 = tpu.memref_slice %arg4[%add3A_237, %dma_start3A_242] : memref<204800x256xf32, #tpu.memory_space<hbm>> -> memref<32x256xf32, #tpu.memory_space<hbm>>
      %dma_start3A_244 = arith.constant 0 : i32
      %dma_start3A_245 = tpu.memref_slice %arg4[%add3A_237, %dma_start3A_244] : memref<204800x256xf32, #tpu.memory_space<hbm>> -> memref<32x256xf32, #tpu.memory_space<hbm>>
      tpu.enqueue_dma source(%arg6 : memref<32x256xf32, #tpu.memory_space<vmem>>) target(%dma_start3A_245 : memref<32x256xf32, #tpu.memory_space<hbm>>) target_semaphore(%arg26 : memref<!tpu.dma_semaphore, #tpu.memory_space<semaphore_mem>>)
      %add3A_246 = arith.constant 1 : i32
      %add3A_247 = arith.addi %add3A_73, %add3A_246 : i32
      %mul3A_248 = arith.constant 32 : i32
      %mul3A_249 = arith.muli %add3A_247, %mul3A_248 : i32
      %mul3A_250 = arith.constant 32 : i32
      %mul3A_251 = arith.muli %add3A_247, %mul3A_250 : i32
      %add3A_252 = arith.addi %mul3A_2, %mul3A_251 : i32
      %dma_wait3A_253 = tpu.memref_slice %arg5[%mul3A_249] : memref<6400xi32, #tpu.memory_space<vmem>> -> memref<32xi32, #tpu.memory_space<vmem>>
      %dma_wait3A_254 = arith.constant 0 : i32
      %dma_wait3A_255 = arith.constant 0 : i32
      %dma_wait3A_256 = tpu.memref_slice %arg2[%dma_wait3A_254, %dma_wait3A_255] : memref<6067x256xf32, #tpu.memory_space<hbm>> -> memref<6067x256xf32, #tpu.memory_space<hbm>>
      tpu.wait_indirect_dma semaphore(%arg17 : memref<!tpu.dma_semaphore, #tpu.memory_space<semaphore_mem>>) src(%dma_wait3A_256 : memref<6067x256xf32, #tpu.memory_space<hbm>>) dst(%arg7 : memref<32x256xf32, #tpu.memory_space<vmem>>)
      %dma_start3A_257 = arith.constant 0 : i32
      %dma_start3A_258 = tpu.memref_slice %arg4[%add3A_252, %dma_start3A_257] : memref<204800x256xf32, #tpu.memory_space<hbm>> -> memref<32x256xf32, #tpu.memory_space<hbm>>
      %dma_start3A_259 = arith.constant 0 : i32
      %dma_start3A_260 = tpu.memref_slice %arg4[%add3A_252, %dma_start3A_259] : memref<204800x256xf32, #tpu.memory_space<hbm>> -> memref<32x256xf32, #tpu.memory_space<hbm>>
      tpu.enqueue_dma source(%arg7 : memref<32x256xf32, #tpu.memory_space<vmem>>) target(%dma_start3A_260 : memref<32x256xf32, #tpu.memory_space<hbm>>) target_semaphore(%arg27 : memref<!tpu.dma_semaphore, #tpu.memory_space<semaphore_mem>>)
      %add3A_261 = arith.constant 2 : i32
      %add3A_262 = arith.addi %add3A_73, %add3A_261 : i32
      %mul3A_263 = arith.constant 32 : i32
      %mul3A_264 = arith.muli %add3A_262, %mul3A_263 : i32
      %mul3A_265 = arith.constant 32 : i32
      %mul3A_266 = arith.muli %add3A_262, %mul3A_265 : i32
      %add3A_267 = arith.addi %mul3A_2, %mul3A_266 : i32
      %dma_wait3A_268 = tpu.memref_slice %arg5[%mul3A_264] : memref<6400xi32, #tpu.memory_space<vmem>> -> memref<32xi32, #tpu.memory_space<vmem>>
      %dma_wait3A_269 = arith.constant 0 : i32
      %dma_wait3A_270 = arith.constant 0 : i32
      %dma_wait3A_271 = tpu.memref_slice %arg2[%dma_wait3A_269, %dma_wait3A_270] : memref<6067x256xf32, #tpu.memory_space<hbm>> -> memref<6067x256xf32, #tpu.memory_space<hbm>>
      tpu.wait_indirect_dma semaphore(%arg18 : memref<!tpu.dma_semaphore, #tpu.memory_space<semaphore_mem>>) src(%dma_wait3A_271 : memref<6067x256xf32, #tpu.memory_space<hbm>>) dst(%arg8 : memref<32x256xf32, #tpu.memory_space<vmem>>)
      %dma_start3A_272 = arith.constant 0 : i32
      %dma_start3A_273 = tpu.memref_slice %arg4[%add3A_267, %dma_start3A_272] : memref<204800x256xf32, #tpu.memory_space<hbm>> -> memref<32x256xf32, #tpu.memory_space<hbm>>
      %dma_start3A_274 = arith.constant 0 : i32
      %dma_start3A_275 = tpu.memref_slice %arg4[%add3A_267, %dma_start3A_274] : memref<204800x256xf32, #tpu.memory_space<hbm>> -> memref<32x256xf32, #tpu.memory_space<hbm>>
      tpu.enqueue_dma source(%arg8 : memref<32x256xf32, #tpu.memory_space<vmem>>) target(%dma_start3A_275 : memref<32x256xf32, #tpu.memory_space<hbm>>) target_semaphore(%arg28 : memref<!tpu.dma_semaphore, #tpu.memory_space<semaphore_mem>>)
      %add3A_276 = arith.constant 3 : i32
      %add3A_277 = arith.addi %add3A_73, %add3A_276 : i32
      %mul3A_278 = arith.constant 32 : i32
      %mul3A_279 = arith.muli %add3A_277, %mul3A_278 : i32
      %mul3A_280 = arith.constant 32 : i32
      %mul3A_281 = arith.muli %add3A_277, %mul3A_280 : i32
      %add3A_282 = arith.addi %mul3A_2, %mul3A_281 : i32
      %dma_wait3A_283 = tpu.memref_slice %arg5[%mul3A_279] : memref<6400xi32, #tpu.memory_space<vmem>> -> memref<32xi32, #tpu.memory_space<vmem>>
      %dma_wait3A_284 = arith.constant 0 : i32
      %dma_wait3A_285 = arith.constant 0 : i32
      %dma_wait3A_286 = tpu.memref_slice %arg2[%dma_wait3A_284, %dma_wait3A_285] : memref<6067x256xf32, #tpu.memory_space<hbm>> -> memref<6067x256xf32, #tpu.memory_space<hbm>>
      tpu.wait_indirect_dma semaphore(%arg19 : memref<!tpu.dma_semaphore, #tpu.memory_space<semaphore_mem>>) src(%dma_wait3A_286 : memref<6067x256xf32, #tpu.memory_space<hbm>>) dst(%arg9 : memref<32x256xf32, #tpu.memory_space<vmem>>)
      %dma_start3A_287 = arith.constant 0 : i32
      %dma_start3A_288 = tpu.memref_slice %arg4[%add3A_282, %dma_start3A_287] : memref<204800x256xf32, #tpu.memory_space<hbm>> -> memref<32x256xf32, #tpu.memory_space<hbm>>
      %dma_start3A_289 = arith.constant 0 : i32
      %dma_start3A_290 = tpu.memref_slice %arg4[%add3A_282, %dma_start3A_289] : memref<204800x256xf32, #tpu.memory_space<hbm>> -> memref<32x256xf32, #tpu.memory_space<hbm>>
      tpu.enqueue_dma source(%arg9 : memref<32x256xf32, #tpu.memory_space<vmem>>) target(%dma_start3A_290 : memref<32x256xf32, #tpu.memory_space<hbm>>) target_semaphore(%arg29 : memref<!tpu.dma_semaphore, #tpu.memory_space<semaphore_mem>>)
      %add3A_291 = arith.constant 4 : i32
      %add3A_292 = arith.addi %add3A_73, %add3A_291 : i32
      %mul3A_293 = arith.constant 32 : i32
      %mul3A_294 = arith.muli %add3A_292, %mul3A_293 : i32
      %mul3A_295 = arith.constant 32 : i32
      %mul3A_296 = arith.muli %add3A_292, %mul3A_295 : i32
      %add3A_297 = arith.addi %mul3A_2, %mul3A_296 : i32
      %dma_wait3A_298 = tpu.memref_slice %arg5[%mul3A_294] : memref<6400xi32, #tpu.memory_space<vmem>> -> memref<32xi32, #tpu.memory_space<vmem>>
      %dma_wait3A_299 = arith.constant 0 : i32
      %dma_wait3A_300 = arith.constant 0 : i32
      %dma_wait3A_301 = tpu.memref_slice %arg2[%dma_wait3A_299, %dma_wait3A_300] : memref<6067x256xf32, #tpu.memory_space<hbm>> -> memref<6067x256xf32, #tpu.memory_space<hbm>>
      tpu.wait_indirect_dma semaphore(%arg20 : memref<!tpu.dma_semaphore, #tpu.memory_space<semaphore_mem>>) src(%dma_wait3A_301 : memref<6067x256xf32, #tpu.memory_space<hbm>>) dst(%arg10 : memref<32x256xf32, #tpu.memory_space<vmem>>)
      %dma_start3A_302 = arith.constant 0 : i32
      %dma_start3A_303 = tpu.memref_slice %arg4[%add3A_297, %dma_start3A_302] : memref<204800x256xf32, #tpu.memory_space<hbm>> -> memref<32x256xf32, #tpu.memory_space<hbm>>
      %dma_start3A_304 = arith.constant 0 : i32
      %dma_start3A_305 = tpu.memref_slice %arg4[%add3A_297, %dma_start3A_304] : memref<204800x256xf32, #tpu.memory_space<hbm>> -> memref<32x256xf32, #tpu.memory_space<hbm>>
      tpu.enqueue_dma source(%arg10 : memref<32x256xf32, #tpu.memory_space<vmem>>) target(%dma_start3A_305 : memref<32x256xf32, #tpu.memory_space<hbm>>) target_semaphore(%arg30 : memref<!tpu.dma_semaphore, #tpu.memory_space<semaphore_mem>>)
      %add3A_306 = arith.constant 5 : i32
      %add3A_307 = arith.addi %add3A_73, %add3A_306 : i32
      %mul3A_308 = arith.constant 32 : i32
      %mul3A_309 = arith.muli %add3A_307, %mul3A_308 : i32
      %mul3A_310 = arith.constant 32 : i32
      %mul3A_311 = arith.muli %add3A_307, %mul3A_310 : i32
      %add3A_312 = arith.addi %mul3A_2, %mul3A_311 : i32
      %dma_wait3A_313 = tpu.memref_slice %arg5[%mul3A_309] : memref<6400xi32, #tpu.memory_space<vmem>> -> memref<32xi32, #tpu.memory_space<vmem>>
      %dma_wait3A_314 = arith.constant 0 : i32
      %dma_wait3A_315 = arith.constant 0 : i32
      %dma_wait3A_316 = tpu.memref_slice %arg2[%dma_wait3A_314, %dma_wait3A_315] : memref<6067x256xf32, #tpu.memory_space<hbm>> -> memref<6067x256xf32, #tpu.memory_space<hbm>>
      tpu.wait_indirect_dma semaphore(%arg21 : memref<!tpu.dma_semaphore, #tpu.memory_space<semaphore_mem>>) src(%dma_wait3A_316 : memref<6067x256xf32, #tpu.memory_space<hbm>>) dst(%arg11 : memref<32x256xf32, #tpu.memory_space<vmem>>)
      %dma_start3A_317 = arith.constant 0 : i32
      %dma_start3A_318 = tpu.memref_slice %arg4[%add3A_312, %dma_start3A_317] : memref<204800x256xf32, #tpu.memory_space<hbm>> -> memref<32x256xf32, #tpu.memory_space<hbm>>
      %dma_start3A_319 = arith.constant 0 : i32
      %dma_start3A_320 = tpu.memref_slice %arg4[%add3A_312, %dma_start3A_319] : memref<204800x256xf32, #tpu.memory_space<hbm>> -> memref<32x256xf32, #tpu.memory_space<hbm>>
      tpu.enqueue_dma source(%arg11 : memref<32x256xf32, #tpu.memory_space<vmem>>) target(%dma_start3A_320 : memref<32x256xf32, #tpu.memory_space<hbm>>) target_semaphore(%arg31 : memref<!tpu.dma_semaphore, #tpu.memory_space<semaphore_mem>>)
      %add3A_321 = arith.constant 6 : i32
      %add3A_322 = arith.addi %add3A_73, %add3A_321 : i32
      %mul3A_323 = arith.constant 32 : i32
      %mul3A_324 = arith.muli %add3A_322, %mul3A_323 : i32
      %mul3A_325 = arith.constant 32 : i32
      %mul3A_326 = arith.muli %add3A_322, %mul3A_325 : i32
      %add3A_327 = arith.addi %mul3A_2, %mul3A_326 : i32
      %dma_wait3A_328 = tpu.memref_slice %arg5[%mul3A_324] : memref<6400xi32, #tpu.memory_space<vmem>> -> memref<32xi32, #tpu.memory_space<vmem>>
      %dma_wait3A_329 = arith.constant 0 : i32
      %dma_wait3A_330 = arith.constant 0 : i32
      %dma_wait3A_331 = tpu.memref_slice %arg2[%dma_wait3A_329, %dma_wait3A_330] : memref<6067x256xf32, #tpu.memory_space<hbm>> -> memref<6067x256xf32, #tpu.memory_space<hbm>>
      tpu.wait_indirect_dma semaphore(%arg22 : memref<!tpu.dma_semaphore, #tpu.memory_space<semaphore_mem>>) src(%dma_wait3A_331 : memref<6067x256xf32, #tpu.memory_space<hbm>>) dst(%arg12 : memref<32x256xf32, #tpu.memory_space<vmem>>)
      %dma_start3A_332 = arith.constant 0 : i32
      %dma_start3A_333 = tpu.memref_slice %arg4[%add3A_327, %dma_start3A_332] : memref<204800x256xf32, #tpu.memory_space<hbm>> -> memref<32x256xf32, #tpu.memory_space<hbm>>
      %dma_start3A_334 = arith.constant 0 : i32
      %dma_start3A_335 = tpu.memref_slice %arg4[%add3A_327, %dma_start3A_334] : memref<204800x256xf32, #tpu.memory_space<hbm>> -> memref<32x256xf32, #tpu.memory_space<hbm>>
      tpu.enqueue_dma source(%arg12 : memref<32x256xf32, #tpu.memory_space<vmem>>) target(%dma_start3A_335 : memref<32x256xf32, #tpu.memory_space<hbm>>) target_semaphore(%arg32 : memref<!tpu.dma_semaphore, #tpu.memory_space<semaphore_mem>>)
      %add3A_336 = arith.constant 7 : i32
      %add3A_337 = arith.addi %add3A_73, %add3A_336 : i32
      %mul3A_338 = arith.constant 32 : i32
      %mul3A_339 = arith.muli %add3A_337, %mul3A_338 : i32
      %mul3A_340 = arith.constant 32 : i32
      %mul3A_341 = arith.muli %add3A_337, %mul3A_340 : i32
      %add3A_342 = arith.addi %mul3A_2, %mul3A_341 : i32
      %dma_wait3A_343 = tpu.memref_slice %arg5[%mul3A_339] : memref<6400xi32, #tpu.memory_space<vmem>> -> memref<32xi32, #tpu.memory_space<vmem>>
      %dma_wait3A_344 = arith.constant 0 : i32
      %dma_wait3A_345 = arith.constant 0 : i32
      %dma_wait3A_346 = tpu.memref_slice %arg2[%dma_wait3A_344, %dma_wait3A_345] : memref<6067x256xf32, #tpu.memory_space<hbm>> -> memref<6067x256xf32, #tpu.memory_space<hbm>>
      tpu.wait_indirect_dma semaphore(%arg23 : memref<!tpu.dma_semaphore, #tpu.memory_space<semaphore_mem>>) src(%dma_wait3A_346 : memref<6067x256xf32, #tpu.memory_space<hbm>>) dst(%arg13 : memref<32x256xf32, #tpu.memory_space<vmem>>)
      %dma_start3A_347 = arith.constant 0 : i32
      %dma_start3A_348 = tpu.memref_slice %arg4[%add3A_342, %dma_start3A_347] : memref<204800x256xf32, #tpu.memory_space<hbm>> -> memref<32x256xf32, #tpu.memory_space<hbm>>
      %dma_start3A_349 = arith.constant 0 : i32
      %dma_start3A_350 = tpu.memref_slice %arg4[%add3A_342, %dma_start3A_349] : memref<204800x256xf32, #tpu.memory_space<hbm>> -> memref<32x256xf32, #tpu.memory_space<hbm>>
      tpu.enqueue_dma source(%arg13 : memref<32x256xf32, #tpu.memory_space<vmem>>) target(%dma_start3A_350 : memref<32x256xf32, #tpu.memory_space<hbm>>) target_semaphore(%arg33 : memref<!tpu.dma_semaphore, #tpu.memory_space<semaphore_mem>>)
      %add3A_351 = arith.constant 8 : i32
      %add3A_352 = arith.addi %add3A_73, %add3A_351 : i32
      %mul3A_353 = arith.constant 32 : i32
      %mul3A_354 = arith.muli %add3A_352, %mul3A_353 : i32
      %mul3A_355 = arith.constant 32 : i32
      %mul3A_356 = arith.muli %add3A_352, %mul3A_355 : i32
      %add3A_357 = arith.addi %mul3A_2, %mul3A_356 : i32
      %dma_wait3A_358 = tpu.memref_slice %arg5[%mul3A_354] : memref<6400xi32, #tpu.memory_space<vmem>> -> memref<32xi32, #tpu.memory_space<vmem>>
      %dma_wait3A_359 = arith.constant 0 : i32
      %dma_wait3A_360 = arith.constant 0 : i32
      %dma_wait3A_361 = tpu.memref_slice %arg2[%dma_wait3A_359, %dma_wait3A_360] : memref<6067x256xf32, #tpu.memory_space<hbm>> -> memref<6067x256xf32, #tpu.memory_space<hbm>>
      tpu.wait_indirect_dma semaphore(%arg24 : memref<!tpu.dma_semaphore, #tpu.memory_space<semaphore_mem>>) src(%dma_wait3A_361 : memref<6067x256xf32, #tpu.memory_space<hbm>>) dst(%arg14 : memref<32x256xf32, #tpu.memory_space<vmem>>)
      %dma_start3A_362 = arith.constant 0 : i32
      %dma_start3A_363 = tpu.memref_slice %arg4[%add3A_357, %dma_start3A_362] : memref<204800x256xf32, #tpu.memory_space<hbm>> -> memref<32x256xf32, #tpu.memory_space<hbm>>
      %dma_start3A_364 = arith.constant 0 : i32
      %dma_start3A_365 = tpu.memref_slice %arg4[%add3A_357, %dma_start3A_364] : memref<204800x256xf32, #tpu.memory_space<hbm>> -> memref<32x256xf32, #tpu.memory_space<hbm>>
      tpu.enqueue_dma source(%arg14 : memref<32x256xf32, #tpu.memory_space<vmem>>) target(%dma_start3A_365 : memref<32x256xf32, #tpu.memory_space<hbm>>) target_semaphore(%arg34 : memref<!tpu.dma_semaphore, #tpu.memory_space<semaphore_mem>>)
      %add3A_366 = arith.constant 9 : i32
      %add3A_367 = arith.addi %add3A_73, %add3A_366 : i32
      %mul3A_368 = arith.constant 32 : i32
      %mul3A_369 = arith.muli %add3A_367, %mul3A_368 : i32
      %mul3A_370 = arith.constant 32 : i32
      %mul3A_371 = arith.muli %add3A_367, %mul3A_370 : i32
      %add3A_372 = arith.addi %mul3A_2, %mul3A_371 : i32
      %dma_wait3A_373 = tpu.memref_slice %arg5[%mul3A_369] : memref<6400xi32, #tpu.memory_space<vmem>> -> memref<32xi32, #tpu.memory_space<vmem>>
      %dma_wait3A_374 = arith.constant 0 : i32
      %dma_wait3A_375 = arith.constant 0 : i32
      %dma_wait3A_376 = tpu.memref_slice %arg2[%dma_wait3A_374, %dma_wait3A_375] : memref<6067x256xf32, #tpu.memory_space<hbm>> -> memref<6067x256xf32, #tpu.memory_space<hbm>>
      tpu.wait_indirect_dma semaphore(%arg25 : memref<!tpu.dma_semaphore, #tpu.memory_space<semaphore_mem>>) src(%dma_wait3A_376 : memref<6067x256xf32, #tpu.memory_space<hbm>>) dst(%arg15 : memref<32x256xf32, #tpu.memory_space<vmem>>)
      %dma_start3A_377 = arith.constant 0 : i32
      %dma_start3A_378 = tpu.memref_slice %arg4[%add3A_372, %dma_start3A_377] : memref<204800x256xf32, #tpu.memory_space<hbm>> -> memref<32x256xf32, #tpu.memory_space<hbm>>
      %dma_start3A_379 = arith.constant 0 : i32
      %dma_start3A_380 = tpu.memref_slice %arg4[%add3A_372, %dma_start3A_379] : memref<204800x256xf32, #tpu.memory_space<hbm>> -> memref<32x256xf32, #tpu.memory_space<hbm>>
      tpu.enqueue_dma source(%arg15 : memref<32x256xf32, #tpu.memory_space<vmem>>) target(%dma_start3A_380 : memref<32x256xf32, #tpu.memory_space<hbm>>) target_semaphore(%arg35 : memref<!tpu.dma_semaphore, #tpu.memory_space<semaphore_mem>>)
    }
    %scan3A_8 = arith.constant 20 : i32
    %add3A_9 = arith.constant 6080 : i32
    %add3A_10 = arith.addi %mul3A_2, %add3A_9 : i32
    %dma_wait3A_11 = arith.constant 0 : i32
    %dma_wait3A_12 = tpu.memref_slice %arg4[%add3A_10, %dma_wait3A_11] : memref<204800x256xf32, #tpu.memory_space<hbm>> -> memref<32x256xf32, #tpu.memory_space<hbm>>
    %dma_wait3A_13 = arith.constant 0 : i32
    %dma_wait3A_14 = tpu.memref_slice %arg4[%add3A_10, %dma_wait3A_13] : memref<204800x256xf32, #tpu.memory_space<hbm>> -> memref<32x256xf32, #tpu.memory_space<hbm>>
    tpu.wait_dma2 semaphore(%arg26 : memref<!tpu.dma_semaphore, #tpu.memory_space<semaphore_mem>>) src(%arg6 : memref<32x256xf32, #tpu.memory_space<vmem>>) dst(%dma_wait3A_14 : memref<32x256xf32, #tpu.memory_space<hbm>>)
    %add3A_15 = arith.constant 6112 : i32
    %add3A_16 = arith.addi %mul3A_2, %add3A_15 : i32
    %dma_wait3A_17 = arith.constant 0 : i32
    %dma_wait3A_18 = tpu.memref_slice %arg4[%add3A_16, %dma_wait3A_17] : memref<204800x256xf32, #tpu.memory_space<hbm>> -> memref<32x256xf32, #tpu.memory_space<hbm>>
    %dma_wait3A_19 = arith.constant 0 : i32
    %dma_wait3A_20 = tpu.memref_slice %arg4[%add3A_16, %dma_wait3A_19] : memref<204800x256xf32, #tpu.memory_space<hbm>> -> memref<32x256xf32, #tpu.memory_space<hbm>>
    tpu.wait_dma2 semaphore(%arg27 : memref<!tpu.dma_semaphore, #tpu.memory_space<semaphore_mem>>) src(%arg7 : memref<32x256xf32, #tpu.memory_space<vmem>>) dst(%dma_wait3A_20 : memref<32x256xf32, #tpu.memory_space<hbm>>)
    %add3A_21 = arith.constant 6144 : i32
    %add3A_22 = arith.addi %mul3A_2, %add3A_21 : i32
    %dma_wait3A_23 = arith.constant 0 : i32
    %dma_wait3A_24 = tpu.memref_slice %arg4[%add3A_22, %dma_wait3A_23] : memref<204800x256xf32, #tpu.memory_space<hbm>> -> memref<32x256xf32, #tpu.memory_space<hbm>>
    %dma_wait3A_25 = arith.constant 0 : i32
    %dma_wait3A_26 = tpu.memref_slice %arg4[%add3A_22, %dma_wait3A_25] : memref<204800x256xf32, #tpu.memory_space<hbm>> -> memref<32x256xf32, #tpu.memory_space<hbm>>
    tpu.wait_dma2 semaphore(%arg28 : memref<!tpu.dma_semaphore, #tpu.memory_space<semaphore_mem>>) src(%arg8 : memref<32x256xf32, #tpu.memory_space<vmem>>) dst(%dma_wait3A_26 : memref<32x256xf32, #tpu.memory_space<hbm>>)
    %add3A_27 = arith.constant 6176 : i32
    %add3A_28 = arith.addi %mul3A_2, %add3A_27 : i32
    %dma_wait3A_29 = arith.constant 0 : i32
    %dma_wait3A_30 = tpu.memref_slice %arg4[%add3A_28, %dma_wait3A_29] : memref<204800x256xf32, #tpu.memory_space<hbm>> -> memref<32x256xf32, #tpu.memory_space<hbm>>
    %dma_wait3A_31 = arith.constant 0 : i32
    %dma_wait3A_32 = tpu.memref_slice %arg4[%add3A_28, %dma_wait3A_31] : memref<204800x256xf32, #tpu.memory_space<hbm>> -> memref<32x256xf32, #tpu.memory_space<hbm>>
    tpu.wait_dma2 semaphore(%arg29 : memref<!tpu.dma_semaphore, #tpu.memory_space<semaphore_mem>>) src(%arg9 : memref<32x256xf32, #tpu.memory_space<vmem>>) dst(%dma_wait3A_32 : memref<32x256xf32, #tpu.memory_space<hbm>>)
    %add3A_33 = arith.constant 6208 : i32
    %add3A_34 = arith.addi %mul3A_2, %add3A_33 : i32
    %dma_wait3A_35 = arith.constant 0 : i32
    %dma_wait3A_36 = tpu.memref_slice %arg4[%add3A_34, %dma_wait3A_35] : memref<204800x256xf32, #tpu.memory_space<hbm>> -> memref<32x256xf32, #tpu.memory_space<hbm>>
    %dma_wait3A_37 = arith.constant 0 : i32
    %dma_wait3A_38 = tpu.memref_slice %arg4[%add3A_34, %dma_wait3A_37] : memref<204800x256xf32, #tpu.memory_space<hbm>> -> memref<32x256xf32, #tpu.memory_space<hbm>>
    tpu.wait_dma2 semaphore(%arg30 : memref<!tpu.dma_semaphore, #tpu.memory_space<semaphore_mem>>) src(%arg10 : memref<32x256xf32, #tpu.memory_space<vmem>>) dst(%dma_wait3A_38 : memref<32x256xf32, #tpu.memory_space<hbm>>)
    %add3A_39 = arith.constant 6240 : i32
    %add3A_40 = arith.addi %mul3A_2, %add3A_39 : i32
    %dma_wait3A_41 = arith.constant 0 : i32
    %dma_wait3A_42 = tpu.memref_slice %arg4[%add3A_40, %dma_wait3A_41] : memref<204800x256xf32, #tpu.memory_space<hbm>> -> memref<32x256xf32, #tpu.memory_space<hbm>>
    %dma_wait3A_43 = arith.constant 0 : i32
    %dma_wait3A_44 = tpu.memref_slice %arg4[%add3A_40, %dma_wait3A_43] : memref<204800x256xf32, #tpu.memory_space<hbm>> -> memref<32x256xf32, #tpu.memory_space<hbm>>
    tpu.wait_dma2 semaphore(%arg31 : memref<!tpu.dma_semaphore, #tpu.memory_space<semaphore_mem>>) src(%arg11 : memref<32x256xf32, #tpu.memory_space<vmem>>) dst(%dma_wait3A_44 : memref<32x256xf32, #tpu.memory_space<hbm>>)
    %add3A_45 = arith.constant 6272 : i32
    %add3A_46 = arith.addi %mul3A_2, %add3A_45 : i32
    %dma_wait3A_47 = arith.constant 0 : i32
    %dma_wait3A_48 = tpu.memref_slice %arg4[%add3A_46, %dma_wait3A_47] : memref<204800x256xf32, #tpu.memory_space<hbm>> -> memref<32x256xf32, #tpu.memory_space<hbm>>
    %dma_wait3A_49 = arith.constant 0 : i32
    %dma_wait3A_50 = tpu.memref_slice %arg4[%add3A_46, %dma_wait3A_49] : memref<204800x256xf32, #tpu.memory_space<hbm>> -> memref<32x256xf32, #tpu.memory_space<hbm>>
    tpu.wait_dma2 semaphore(%arg32 : memref<!tpu.dma_semaphore, #tpu.memory_space<semaphore_mem>>) src(%arg12 : memref<32x256xf32, #tpu.memory_space<vmem>>) dst(%dma_wait3A_50 : memref<32x256xf32, #tpu.memory_space<hbm>>)
    %add3A_51 = arith.constant 6304 : i32
    %add3A_52 = arith.addi %mul3A_2, %add3A_51 : i32
    %dma_wait3A_53 = arith.constant 0 : i32
    %dma_wait3A_54 = tpu.memref_slice %arg4[%add3A_52, %dma_wait3A_53] : memref<204800x256xf32, #tpu.memory_space<hbm>> -> memref<32x256xf32, #tpu.memory_space<hbm>>
    %dma_wait3A_55 = arith.constant 0 : i32
    %dma_wait3A_56 = tpu.memref_slice %arg4[%add3A_52, %dma_wait3A_55] : memref<204800x256xf32, #tpu.memory_space<hbm>> -> memref<32x256xf32, #tpu.memory_space<hbm>>
    tpu.wait_dma2 semaphore(%arg33 : memref<!tpu.dma_semaphore, #tpu.memory_space<semaphore_mem>>) src(%arg13 : memref<32x256xf32, #tpu.memory_space<vmem>>) dst(%dma_wait3A_56 : memref<32x256xf32, #tpu.memory_space<hbm>>)
    %add3A_57 = arith.constant 6336 : i32
    %add3A_58 = arith.addi %mul3A_2, %add3A_57 : i32
    %dma_wait3A_59 = arith.constant 0 : i32
    %dma_wait3A_60 = tpu.memref_slice %arg4[%add3A_58, %dma_wait3A_59] : memref<204800x256xf32, #tpu.memory_space<hbm>> -> memref<32x256xf32, #tpu.memory_space<hbm>>
    %dma_wait3A_61 = arith.constant 0 : i32
    %dma_wait3A_62 = tpu.memref_slice %arg4[%add3A_58, %dma_wait3A_61] : memref<204800x256xf32, #tpu.memory_space<hbm>> -> memref<32x256xf32, #tpu.memory_space<hbm>>
    tpu.wait_dma2 semaphore(%arg34 : memref<!tpu.dma_semaphore, #tpu.memory_space<semaphore_mem>>) src(%arg14 : memref<32x256xf32, #tpu.memory_space<vmem>>) dst(%dma_wait3A_62 : memref<32x256xf32, #tpu.memory_space<hbm>>)
    %add3A_63 = arith.constant 6368 : i32
    %add3A_64 = arith.addi %mul3A_2, %add3A_63 : i32
    %dma_wait3A_65 = arith.constant 0 : i32
    %dma_wait3A_66 = tpu.memref_slice %arg4[%add3A_64, %dma_wait3A_65] : memref<204800x256xf32, #tpu.memory_space<hbm>> -> memref<32x256xf32, #tpu.memory_space<hbm>>
    %dma_wait3A_67 = arith.constant 0 : i32
    %dma_wait3A_68 = tpu.memref_slice %arg4[%add3A_64, %dma_wait3A_67] : memref<204800x256xf32, #tpu.memory_space<hbm>> -> memref<32x256xf32, #tpu.memory_space<hbm>>
    tpu.wait_dma2 semaphore(%arg35 : memref<!tpu.dma_semaphore, #tpu.memory_space<semaphore_mem>>) src(%arg15 : memref<32x256xf32, #tpu.memory_space<vmem>>) dst(%dma_wait3A_68 : memref<32x256xf32, #tpu.memory_space<hbm>>)
    return
  }
}

</mosaic_0001>

<sc_bundles>
// kernel: wrapper.3.cloned.1.call-start
scs
__scs_entry_jumppad:
0x0: {  	(pc) =	sbr.rel $0x88, $3  }
0x1: {  	(tag) =	ssettag $0x0;
	lr =	simm.s32 $0x1  }
0x2: {  	[smem:$0x3F9F] =	sst lr;
	_ =	strace $0xD0000000  }
0x3: {  	_ = 	snop  }
0x4: {  	_ = 	snop  }
0x5: {  	_ = 	snop  }
0x6: {  	_ = 	snop  }
0x7: {  	_ = 	snop  }
__scs_overlays_trampoline_lowered:
0x8: {  	[smem:$0x3FAE] =	sst s0  }
0x9: {  	[smem:$0x3FAF] =	sst s1  }
0xa: {  	[smem:$0x3FB0] =	sst s2  }
0xb: {  	[smem:$0x3FB1] =	sst s3  }
0xc: {  	[smem:$0x3FB2] =	sst s4  }
0xd: {  	[smem:$0x3FB3] =	sst s5  }
0xe: {  	[smem:$0x3FB4] =	sst s6  }
0xf: {  	[smem:$0x3FB5] =	sst s7  }
0x10: {  	[smem:$0x3FB6] =	sst s8  }
0x11: {  	[smem:$0x3FB7] =	sst s9;
	s0 =	simm.s32 @!p0 $0x0  }
0x12: {  	s1 =	sld [smem:$0x3F9D];
	s0 =	simm.s32 @p0 $0x1  }
0x13: {  	[smem:$0x3FB8] =	sst s0;
	s0 =	simm.s32 @!p1 $0x0  }
0x14: {  	s2 =	sld [smem:$0x3F9C];
	s0 =	simm.s32 @p1 $0x1  }
0x15: {  	[smem:$0x3FB9] =	sst s0;
	s0 =	simm.s32 @!p2 $0x0  }
0x16: {  	s3 =	sld [smem:$0x3FDB];
	s0 =	simm.s32 @p2 $0x1  }
0x17: {  	s4 =	simm.s32 $0x1BF5;
	[smem:$0x3FBB] =	sst s0  }
0x18: {  	s0 =	sld [smem:$0x3F9E];
	_ =	swait.ge [sflag:s4], $0x0  }
0x19: {  	s7 =	sld [smem:$0x3F9F]  }
0x1a: {  	s8 =	sadd.s32 $0xFFFFE003, lr  }
0x1b: {  	s9 =	sadd.s32 $0xFFFFFEF7, lr;
	s5 =	simm.s32 $0xFFFFFFFF;
	p2 =	slt.u32 s8, $0xFFFFF086  }
0x1c: {  	p1 =	slt.u32 s9, $0xF7A;
	s5 =	simm.s32 @!p2 $0x0  }
0x1d: {  	s5 =	simm.s32 @p1 $0x1;
	p0 =	seq.s32 s7, s2  }
0x1e: {  	s7 =	smul.u32 @!p0 $0xF7A, s2;
	p2 =	seq.s32 @!p0 s5, $0x0  }
0x1f: {  	s9 =	smul.u32 $0xF7A, s1;
	s8 =	simm.s32 @!p0 $0x1BF5;
	p2 =	por !p2, p0  }
0x20: {  	[sflag:s8] =	ssyncset.s32 @!p0 $0xFFFFF086;
	s6 =	sadd.s32 @!p0 s3, s7;
	s7 =	simm.s32 @!p0 $0x108  }
0x21: {  	s3 =	sadd.s32 s3, s9;
	s6 =	sadd.s32 @!p0 $0x88, s6;
	s7 =	simm.s32 @p2 $0x1082  }
0x22: {  	[simem:s7], [sflag:s8] =	dma.local @!p0 [hbm:s6], $0xF7A  }
0x23: {  	s9 =	sor.u32 $0xD0000000, s2;
	s6 =	simm.s32 $0x108;
	_ =	swait.ge @!p0 [sflag:s8], $0x0  }
0x24: {  	s3 =	sadd.s32 $0x88, s3;
	s6 =	simm.s32 @!p1 $0x1082;
	[sflag:s4] =	ssyncset.s32 $0xFFFFF086  }
0x25: {  	[simem:s6], [sflag:s4] =	dma.local [hbm:s3], $0xF7A  }
0x26: {  	[smem:$0x3F9F] =	sst s1;
	(tag) =	ssettag s2;
	_ =	strace s9  }
0x27: {  	s1 =	sld [smem:$0x3FAF]  }
0x28: {  	s2 =	sld [smem:$0x3FB0]  }
0x29: {  	s4 =	sld [smem:$0x3FB2]  }
0x2a: {  	p0 =	seq.s32 s5, $0x0;
	s5 =	sld [smem:$0x3FB3]  }
0x2b: {  	s6 =	sld [smem:$0x3FB4]  }
0x2c: {  	s7 =	sld [smem:$0x3FB5]  }
0x2d: {  	s3 =	simm.s32 $0x108;
	s8 =	sld [smem:$0x3FB6]  }
0x2e: {  	s3 =	simm.s32 @!p0 $0x1082;
	s9 =	sld [smem:$0x3FB7]  }
0x2f: {  	lr =	sadd.s32 s0, s3;
	s0 =	sld [smem:$0x3FAE]  }
0x30: {  	s3 =	sld [smem:$0x3FB1]  }
0x31: {  	[smem:$0x3FBA] =	sst s10  }
0x32: {  	s10 =	sld [smem:$0x3FB8];
	_ =	sdelay $0x3  }
0x33: {  	p0 =	seq.s32 s10, $0x1;
	s10 =	sld [smem:$0x3FBA];
	_ =	sdelay $0x3  }
0x34: {  	[smem:$0x3FBA] =	sst s10  }
0x35: {  	s10 =	sld [smem:$0x3FB9];
	_ =	sdelay $0x3  }
0x36: {  	p1 =	seq.s32 s10, $0x1;
	s10 =	sld [smem:$0x3FBA];
	_ =	sdelay $0x3  }
0x37: {  	[smem:$0x3FBA] =	sst s10  }
0x38: {  	s10 =	sld [smem:$0x3FBB]  }
0x39: {  	_ = 	snop;
	(pc) =	sbr.ind lr, $3  }
0x3a: {  	_ = 	snop  }
0x3b: {  	_ = 	snop  }
0x3c: {  	p2 =	seq.s32 s10, $0x1;
	s10 =	sld [smem:$0x3FBA]  }
0x3d: {  	_ =	shalt  }
0x3e: {  	_ =	shalt  }
0x3f: {  	_ =	shalt  }
0x40: {  	_ =	shalt  }
0x41: {  	_ =	shalt  }
0x42: {  	_ =	shalt  }
0x43: {  	_ =	shalt  }
0x44: {  	_ =	shalt  }
0x45: {  	_ =	shalt  }
0x46: {  	_ =	shalt  }
0x47: {  	_ =	shalt  }
0x48: {  	_ =	shalt  }
0x49: {  	_ =	shalt  }
0x4a: {  	_ =	shalt  }
0x4b: {  	_ =	shalt  }
0x4c: {  	_ =	shalt  }
0x4d: {  	_ =	shalt  }
0x4e: {  	_ =	shalt  }
0x4f: {  	_ =	shalt  }
0x50: {  	_ =	shalt  }
0x51: {  	_ =	shalt  }
0x52: {  	_ =	shalt  }
0x53: {  	_ =	shalt  }
0x54: {  	_ =	shalt  }
0x55: {  	_ =	shalt  }
0x56: {  	_ =	shalt  }
0x57: {  	_ =	shalt  }
0x58: {  	_ =	shalt  }
0x59: {  	_ =	shalt  }
0x5a: {  	_ =	shalt  }
0x5b: {  	_ =	shalt  }
0x5c: {  	_ =	shalt  }
0x5d: {  	_ =	shalt  }
0x5e: {  	_ =	shalt  }
0x5f: {  	_ =	shalt  }
0x60: {  	_ =	shalt  }
0x61: {  	_ =	shalt  }
0x62: {  	_ =	shalt  }
0x63: {  	_ =	shalt  }
0x64: {  	_ =	shalt  }
0x65: {  	_ =	shalt  }
0x66: {  	_ =	shalt  }
0x67: {  	_ =	shalt  }
0x68: {  	_ =	shalt  }
0x69: {  	_ =	shalt  }
0x6a: {  	_ =	shalt  }
0x6b: {  	_ =	shalt  }
0x6c: {  	_ =	shalt  }
0x6d: {  	_ =	shalt  }
0x6e: {  	_ =	shalt  }
0x6f: {  	_ =	shalt  }
0x70: {  	_ =	shalt  }
0x71: {  	_ =	shalt  }
0x72: {  	_ =	shalt  }
0x73: {  	_ =	shalt  }
0x74: {  	_ =	shalt  }
0x75: {  	_ =	shalt  }
0x76: {  	_ =	shalt  }
0x77: {  	_ =	shalt  }
0x78: {  	_ =	shalt  }
0x79: {  	_ =	shalt  }
0x7a: {  	_ =	shalt  }
0x7b: {  	_ =	shalt  }
0x7c: {  	_ =	shalt  }
0x7d: {  	_ =	shalt  }
0x7e: {  	_ =	shalt  }
0x7f: {  	_ =	shalt  }
0x80: {  	_ =	shalt  }
0x81: {  	_ =	shalt  }
0x82: {  	_ =	shalt  }
0x83: {  	_ =	shalt  }
0x84: {  	_ =	shalt  }
0x85: {  	_ =	shalt  }
0x86: {  	_ =	shalt  }
0x87: {  	_ =	shalt  }
.Lfunc_end0:
.L_simem_size_0:
called_computation_lowered:
.L_overlay_start_0:
0x88: {  	s2 =	sld [smem:$0x3FD9]  }
0x89: {  	s3 =	sld [smem:$0x3FFE];
	_ =	sdelay $0x1  }
0x8a: {  	s1 =	srdreg.scid  }
0x8b: {  	s0 =	sand.u32 $0x1, s1  }
0x8c: {  	s18 =	sshll.u32 s0, $0xA;
	s2 =	sadd.s32 s3, s2  }
0x8d: {  	s2 =	sadd.s32 s2, s18  }
0x8e: {  	[smem:$0x3FC6] =	sst s2  }
0x8f: {  	_ = 	snop  }
0x90: {  	s2 =	sld [smem:$0x3FC9]  }
0x91: {  	s19 =	sld [smem:$0x3FC8]  }
0x92: {  	s4 =	sld [smem:$0x3FD0];
	(tm) =	ssettm $0x1  }
0x93: {  	s5 =	sld [smem:$0x3FFB];
	_ =	sdelay $0x3  }
0x94: {  	_ =	strace s5  }
0x95: {  	s5 =	sld [smem:$0x3FFC];
	_ =	sdelay $0x3  }
0x96: {  	_ =	strace s5  }
0x97: {  	s5 =	sld [smem:$0x3FFD];
	_ =	sdelay $0x3  }
0x98: {  	_ =	strace s5  }
0x99: {  	_ =	strace $0x8FFFFFFF  }
0x9a: {  	s20 =	sld [smem:$0x3FDB];
	_ =	sdelay $0x1  }
0x9b: {  	s6 =	simm.s32 $_scs_section_size  }
0x9c: {  	s7 =	simm.s32 $_size__tile_overlayer_lowered;
	s8 =	simm.s32 $_tile_overlayer_lowered  }
0x9d: {  	s23 =	simm.s32 $0x1BFF;
	s22 =	sshll.u32 s8, $0x1;
	s5 =	sadd.s32 s6, s20  }
0x9e: {  	s9 =	simm.s32 $0x0;
	s21 =	sshll.u32 s7, $0x1;
	s7 =	sadd.s32 s22, s5  }
0x9f: {  	[timem:s9], [sflag:s23] =	dma.local [hbm:s7], s21  }
0xa0: {  	_ =	swait.ge [sflag:s23], s21  }
0xa1: {  	s6 =	ssub.s32 $0x0, s21;
	[sflag:s23] =	ssyncset.done $0x0  }
0xa2: {  	[sflag:s23] =	ssyncadd.s32 s6;
	_ =	sdelay $0x1  }
0xa3: {  	s24 =	simm.s32 $0x1B8B  }
0xa4: {  	_ =	swait.ge [sflag:s24], $0x1  }
0xa5: {  	[sflag:s24] =	ssyncset.done $0x0  }
0xa6: {  	s25 =	simm.s32 $0x1B8E;
	[sflag:s24] =	ssyncadd.s32 $0xFFFFFFFF  }
0xa7: {  	s26 =	simm.s32 $execute0_lowered;
	[smem:$0x3FD2] =	sst s25  }
0xa8: {  	s6 =	sshll.u32 s26, $0x1;
	_ =	strace $0x80000046;
	[dreg:$0x1] =	wrdreg $0xFFFFFFFF  }
0xa9: {  	s28 =	simm.s32 $_size_execute0_lowered;
	s5 =	sadd.s32 s5, s6;
	[dreg:$0x0] =	wrdreg $0x0  }
0xaa: {  	s6 =	sshll.u32 s28, $0x1;
	[dreg:$0x2] =	wrdreg s5  }
0xab: {  	[dreg:$0x3] =	wrdreg s6  }
0xac: {  	[dreg:$0x4] =	wrdreg $0xC0  }
0xad: {  	_ =	task [dreg:s9], $0x5FFFF  }
0xae: {  	[dreg:$0x1] =	wrdreg $0xFFFFFFFF  }
0xaf: {  	[dreg:$0x0] =	wrdreg $0x60  }
0xb0: {  	[dreg:$0x2] =	wrdreg s2  }
0xb1: {  	[dreg:$0x3] =	wrdreg s19  }
0xb2: {  	[dreg:$0x4] =	wrdreg s4  }
0xb3: {  	[dreg:$0x5] =	wrdreg $0x9  }
0xb4: {  	_ =	task.clear_ibuf [dreg:s9], $0x6FFFF;
	_ =	strace $0x90000046  }
0xb5: {  	s29 =	simm.s32 $0x9;
	_ =	strace $0x80000048  }
0xb6: {  	_ =	swait.ge [sflag:s29], $0x1  }
0xb7: {  	[sflag:s29] =	ssyncadd.s32 $0xFFFFFFFF  }
0xb8: {  	_ =	strace $0x90000048  }
0xb9: {  	_ =	sfence  }
0xba: {  	s30 =	sld [smem:$0x0];
	_ =	sdelay $0x2  }
0xbb: {  	s31 =	sshll.u32 s1, $0xD;
	s1 =	sshrl.u32 s1, $0x2  }
0xbc: {  	s3 =	sand.u32 $0x4000, s31;
	s1 =	sadd.s32 s1, s30  }
0xbd: {  	s0 =	sor.u32 s3, s0;
	s1 =	sshll.u32 s1, $0x11  }
0xbe: {  	s0 =	sor.u32 s1, s0  }
0xbf: {  	s0 =	sadd.s32 $0x8F2B, s0  }
0xc0: {  	[sflag:s0] =	ssyncadd.remote.s32 $0x1  }
0xc1: {  	_ =	sfence.sel $0xFFFF  }
0xc2: {  	[dreg:$0x0] =	wrdreg $0xFFFFFFFF;
	(pc) =	sbr.abs _section_cstart, $3  }
0xc3: {  	[dreg:$0x1] =	wrdreg $0xFFFFFFFF  }
0xc4: {  	_ =	task.clear_ibuf [dreg:s9], $0x2FFFF;
	_ =	strace $0x9FFFFFFF  }
0xc5: {  	(tm) =	ssettm $0x7FFFFFFF  }
tec
execute0_lowered:
.L_overlay_start_1:
0x0: {  	(tag) =	ssettag $0x1  }
0x1: {  	s1 =	rddreg [dreg:$0x0]  }
0x2: {  	s0 =	rddreg [dreg:$0x1]  }
0x3: {  	s4 =	rddreg [dreg:$0x2];
	s3 =	simm.s32 $0x0  }
0x4: {  	s19 =	simm.s32 $0x2100;
	[smem:$0x7FF] =	sst s3  }
0x5: {  	s20 =	simm.s32 $0x2900;
	_ =	strace $0x80000047;
	[dreg:$0x5] =	wrdreg s19  }
0x6: {  	s21 =	simm.s32 $0x3100;
	[dreg:$0x6] =	wrdreg s20  }
0x7: {  	s22 =	simm.s32 $0x4100;
	[dreg:$0x7] =	wrdreg s21  }
0x8: {  	s23 =	simm.s32 $0x4900;
	[dreg:$0x8] =	wrdreg s22  }
0x9: {  	s24 =	simm.s32 $0x5100;
	[dreg:$0x9] =	wrdreg s23  }
0xa: {  	s25 =	simm.s32 $0x6100;
	[dreg:$0xa] =	wrdreg s24  }
0xb: {  	s26 =	simm.s32 $0x6900;
	[dreg:$0xb] =	wrdreg s25  }
0xc: {  	s30 =	simm.s32 $0x7100;
	[dreg:$0xc] =	wrdreg s26  }
0xd: {  	s2 =	srdreg.scid;
	s31 =	simm.s32 $0x8100;
	[dreg:$0xd] =	wrdreg s30  }
0xe: {  	s7 =	stileid.u32;
	s9 =	simm.s32 $0xA100;
	[dreg:$0xe] =	wrdreg s31  }
0xf: {  	s11 =	simm.s32 $0xA900;
	s12 =	simm.s32 $0xB100;
	[dreg:$0x11] =	wrdreg s9  }
0x10: {  	s13 =	simm.s32 $0xC100;
	s14 =	simm.s32 $0xC900;
	[dreg:$0x12] =	wrdreg s11  }
0x11: {  	s15 =	simm.s32 $0xD100;
	s16 =	simm.s32 $0xE100;
	[dreg:$0x13] =	wrdreg s12  }
0x12: {  	s17 =	simm.s32 $0xE900;
	s28 =	simm.s32 $0x14;
	[dreg:$0x14] =	wrdreg s13  }
0x13: {  	s29 =	simm.s32 $0x0;
	s2 =	sand.u32 $0x1, s2;
	[dreg:$0x15] =	wrdreg s14  }
0x14: {  	s5 =	smul.u32 $0x64000, s7;
	s7 =	sshll.u32 s7, $0x1;
	[dreg:$0x16] =	wrdreg s15  }
0x15: {  	s6 =	smul.u32 $0x32000, s2;
	s8 =	ssub.s32 $0x2, s2;
	[dreg:$0x17] =	wrdreg s16  }
0x16: {  	s2 =	sor.u32 s2, s7;
	[dreg:$0x18] =	wrdreg s17;
	s19 =	simm.s32 $0xF100  }
0x17: {  	s20 =	simm.s32 $0x10100;
	s7 =	simm.s32 $0x1900;
	s21 =	simm.s32 $0x10900  }
0x18: {  	s22 =	simm.s32 $0x11100;
	s9 =	simm.s32 $0x5900;
	[dreg:$0x19] =	wrdreg s19  }
0x19: {  	s23 =	simm.s32 $0x12100;
	s24 =	simm.s32 $0x12900;
	[dreg:$0x1a] =	wrdreg s20  }
0x1a: {  	s11 =	simm.s32 $0x9900;
	s25 =	simm.s32 $0x13100;
	[dreg:$0x1b] =	wrdreg s21  }
0x1b: {  	s12 =	simm.s32 $0xB900;
	s26 =	simm.s32 $0x14100;
	[dreg:$0x1c] =	wrdreg s22  }
0x1c: {  	s13 =	simm.s32 $0xD900;
	s30 =	simm.s32 $0x14900;
	[dreg:$0x1d] =	wrdreg s23  }
0x1d: {  	s14 =	simm.s32 $0xF900;
	s31 =	simm.s32 $0x15100;
	[dreg:$0x1e] =	wrdreg s24  }
0x1e: {  	s15 =	simm.s32 $0x11900;
	s16 =	simm.s32 $0x13900;
	[dreg:$0x1f] =	wrdreg s25  }
0x1f: {  	s17 =	simm.s32 $0x1;
	s4 =	sadd.s32 s5, s4;
	[smem:$0x7FB] =	sst s26  }
0x20: {  	s5 =	simm.s32 $0x8900;
	s10 =	sshrl.u32 s8, $0x1;
	[smem:$0x7FC] =	sst s30  }
0x21: {  	s2 =	smul.u32 $0x1900, s2;
	[smem:$0x7FD] =	sst s31;
	s19 =	simm.s32 $0x3  }
0x22: {  	s20 =	simm.s32 $0x4;
	s21 =	simm.s32 $0x5;
	s22 =	simm.s32 $0x6  }
0x23: {  	s23 =	simm.s32 $0x7;
	s24 =	simm.s32 $0x8;
	s25 =	simm.s32 $0x9  }
0x24: {  	s26 =	simm.s32 $0xA;
	s4 =	sadd.s32 s6, s4;
	[dreg:$0xf] =	wrdreg s5  }
0x25: {  	s6 =	simm.s32 $0x9100;
	s5 =	ssub.s32 s8, s10;
	[dreg:$0x4] =	wrdreg s4  }
0x26: {  	s8 =	simm.s32 $0x3900;
	s10 =	simm.s32 $0x7900;
	[dreg:$0x10] =	wrdreg s6  }
0x27: {  	v2 =	vlaneseq.u32;
	s2 =	sshrl.u32 s2, $0x3;
	s18 =	smax.u32 s5, $0x1;
	s4 =	simm.s32 $0x11  }
0x28: {  	vm0 =	vmmov $0xffff;
	v1 =	vshrl.u32 v2, $0x3;
	s5 =	simm.s32 $0x12;
	s0 =	sadd.s32 s0, s2;
	[smem:$0x7FA] =	sst s18  }
0x29: {  	v0 =	vand.u32 $0x7, v2;
	v2 =	vor.u32 $0x8, v2;
	v1 =	vmul.u32 $0x8, v1;
	s6 =	simm.s32 $0x13;
	s18 =	simm.s32 $0x2;
	[smem:$0x7F9] =	sst s0  }
.LBB2_1:
0x2a: {  	s0 =	sld [smem:$0x7F9];
	_ =	sdelay $0x1  }
0x2b: {  	s2 =	simm.s32 $0x15  }
0x2c: {  	[tilespmem:s3], [sflag:$0x15] =	stream.linear.gather [hbm4b:s0+s3], $0x1900, $0x38;
	[tilespmem:$0x15900] =	vst v63  }
0x2d: {  	_ =	swait.ge [sflag:s2], $0x1900  }
0x2e: {  	[sflag:s2] =	ssyncset.done $0x0  }
0x2f: {  	s30 =	simm.s32 $0xA0;
	s31 =	simm.s32 $0x0;
	[sflag:s2] =	ssyncadd.s32 $0xFFFFE700  }
.LBB2_2:
0x30: {  	p0 =	seq.s32 s31, $0x0  }
0x31: {  	s2 =	simm.s32 @!p0 $0xB  }
0x32: {  	_ =	swait.ge @!p0 [sflag:s2], $0x2000  }
0x33: {  	[sflag:s2] =	ssyncset.done @!p0 $0x0  }
0x34: {  	[sflag:s2] =	ssyncadd.s32 @!p0 $0xFFFFE000  }
0x35: {  	v3 =	vld [tilespmem:s30+$0xFFFFFF60];
	_ =	sdelay $0x4  }
0x36: {  	v4 =	vshll.u32 v3, $0x1  }
0x37: {  	v3 =	vand.u32 $0x7, v3;
	v4 =	vand.u32 $0xFFFFFFF0, v4  }
0x38: {  	v3 =	vor.u32 v3, v4  }
0x39: {  	v4 =	vperm.xlane v3, v0;
	_ =	sdelay $0x1  }
0x3a: {  	v3 =	vperm.xlane v3, v2;
	v4 =	vadd.s32 v1, v4;
	_ =	sdelay $0x1  }
0x3b: {  	v3 =	vadd.s32 v1, v3;
	_ =	sdelay $0x2  }
0x3c: {  	[tilespmem:s7], [sflag:$0x1] =	stream.indirect_vreg.gather [hbm4b:s1+s3], $0x80, v4, vm0, $0xb8;
	[tilespmem:$0x15900] =	vst v63  }
0x3d: {  	s0 =	rddreg [dreg:$0x5]  }
0x3e: {  	[tilespmem:s0], [sflag:$0x1] =	stream.indirect_vreg.gather [hbm4b:s1+s3], $0x80, v3, vm0, $0xb8;
	[tilespmem:$0x15900] =	vst v63  }
0x3f: {  	v3 =	vld [tilespmem:s30+$0xFFFFFF70];
	_ =	sdelay $0x4  }
0x40: {  	v45 =	vshll.u32 v3, $0x1  }
0x41: {  	v3 =	vand.u32 $0x7, v3;
	v4 =	vand.u32 $0xFFFFFFF0, v45  }
0x42: {  	v3 =	vor.u32 v3, v4  }
0x43: {  	v4 =	vperm.xlane v3, v0;
	_ =	sdelay $0x1  }
0x44: {  	v3 =	vperm.xlane v3, v2;
	v4 =	vadd.s32 v1, v4;
	_ =	sdelay $0x1  }
0x45: {  	v3 =	vadd.s32 v1, v3;
	_ =	sdelay $0x1  }
0x46: {  	s2 =	rddreg [dreg:$0x6]  }
0x47: {  	[tilespmem:s2], [sflag:$0x1] =	stream.indirect_vreg.gather [hbm4b:s1+s3], $0x80, v4, vm0, $0xb8;
	[tilespmem:$0x15900] =	vst v63  }
0x48: {  	s0 =	rddreg [dreg:$0x7]  }
0x49: {  	[tilespmem:s0], [sflag:$0x1] =	stream.indirect_vreg.gather [hbm4b:s1+s3], $0x80, v3, vm0, $0xb8;
	[tilespmem:$0x15900] =	vst v63  }
0x4a: {  	s0 =	simm.s32 @!p0 $0xC  }
0x4b: {  	_ =	swait.ge @!p0 [sflag:s0], $0x2000  }
0x4c: {  	[sflag:s0] =	ssyncset.done @!p0 $0x0  }
0x4d: {  	[sflag:s0] =	ssyncadd.s32 @!p0 $0xFFFFE000  }
0x4e: {  	v3 =	vld [tilespmem:s30+$0xFFFFFF80];
	_ =	sdelay $0x4  }
0x4f: {  	v46 =	vshll.u32 v3, $0x1  }
0x50: {  	v3 =	vand.u32 $0x7, v3;
	v4 =	vand.u32 $0xFFFFFFF0, v46  }
0x51: {  	v3 =	vor.u32 v3, v4  }
0x52: {  	v4 =	vperm.xlane v3, v0;
	_ =	sdelay $0x1  }
0x53: {  	v3 =	vperm.xlane v3, v2;
	v4 =	vadd.s32 v1, v4;
	_ =	sdelay $0x1  }
0x54: {  	v3 =	vadd.s32 v1, v3;
	_ =	sdelay $0x2  }
0x55: {  	[tilespmem:s8], [sflag:$0x2] =	stream.indirect_vreg.gather [hbm4b:s1+s3], $0x80, v4, vm0, $0xb8;
	[tilespmem:$0x15900] =	vst v63  }
0x56: {  	s2 =	rddreg [dreg:$0x8]  }
0x57: {  	[tilespmem:s2], [sflag:$0x2] =	stream.indirect_vreg.gather [hbm4b:s1+s3], $0x80, v3, vm0, $0xb8;
	[tilespmem:$0x15900] =	vst v63  }
0x58: {  	v3 =	vld [tilespmem:s30+$0xFFFFFF90];
	_ =	sdelay $0x4  }
0x59: {  	v47 =	vshll.u32 v3, $0x1  }
0x5a: {  	v3 =	vand.u32 $0x7, v3;
	v4 =	vand.u32 $0xFFFFFFF0, v47  }
0x5b: {  	v3 =	vor.u32 v3, v4  }
0x5c: {  	v4 =	vperm.xlane v3, v0;
	_ =	sdelay $0x1  }
0x5d: {  	v3 =	vperm.xlane v3, v2;
	v4 =	vadd.s32 v1, v4;
	_ =	sdelay $0x1  }
0x5e: {  	v3 =	vadd.s32 v1, v3;
	_ =	sdelay $0x1  }
0x5f: {  	s0 =	rddreg [dreg:$0x9]  }
0x60: {  	[tilespmem:s0], [sflag:$0x2] =	stream.indirect_vreg.gather [hbm4b:s1+s3], $0x80, v4, vm0, $0xb8;
	[tilespmem:$0x15900] =	vst v63  }
0x61: {  	s2 =	rddreg [dreg:$0xa];
	s0 =	simm.s32 @!p0 $0xD  }
0x62: {  	[tilespmem:s2], [sflag:$0x2] =	stream.indirect_vreg.gather [hbm4b:s1+s3], $0x80, v3, vm0, $0xb8;
	[tilespmem:$0x15900] =	vst v63  }
0x63: {  	_ =	swait.ge @!p0 [sflag:s0], $0x2000  }
0x64: {  	[sflag:s0] =	ssyncset.done @!p0 $0x0  }
0x65: {  	[sflag:s0] =	ssyncadd.s32 @!p0 $0xFFFFE000  }
0x66: {  	v3 =	vld [tilespmem:s30+$0xFFFFFFA0];
	_ =	sdelay $0x4  }
0x67: {  	v48 =	vshll.u32 v3, $0x1  }
0x68: {  	v3 =	vand.u32 $0x7, v3;
	v4 =	vand.u32 $0xFFFFFFF0, v48  }
0x69: {  	v3 =	vor.u32 v3, v4  }
0x6a: {  	v4 =	vperm.xlane v3, v0;
	_ =	sdelay $0x1  }
0x6b: {  	v3 =	vperm.xlane v3, v2;
	v4 =	vadd.s32 v1, v4;
	_ =	sdelay $0x1  }
0x6c: {  	v3 =	vadd.s32 v1, v3;
	_ =	sdelay $0x2  }
0x6d: {  	[tilespmem:s9], [sflag:$0x3] =	stream.indirect_vreg.gather [hbm4b:s1+s3], $0x80, v4, vm0, $0xb8;
	[tilespmem:$0x15900] =	vst v63  }
0x6e: {  	s2 =	rddreg [dreg:$0xb]  }
0x6f: {  	[tilespmem:s2], [sflag:$0x3] =	stream.indirect_vreg.gather [hbm4b:s1+s3], $0x80, v3, vm0, $0xb8;
	[tilespmem:$0x15900] =	vst v63  }
0x70: {  	v3 =	vld [tilespmem:s30+$0xFFFFFFB0];
	_ =	sdelay $0x4  }
0x71: {  	v49 =	vshll.u32 v3, $0x1  }
0x72: {  	v3 =	vand.u32 $0x7, v3;
	v4 =	vand.u32 $0xFFFFFFF0, v49  }
0x73: {  	v3 =	vor.u32 v3, v4  }
0x74: {  	v4 =	vperm.xlane v3, v0;
	_ =	sdelay $0x1  }
0x75: {  	v3 =	vperm.xlane v3, v2;
	v4 =	vadd.s32 v1, v4;
	_ =	sdelay $0x1  }
0x76: {  	v3 =	vadd.s32 v1, v3;
	_ =	sdelay $0x1  }
0x77: {  	s0 =	rddreg [dreg:$0xc]  }
0x78: {  	[tilespmem:s0], [sflag:$0x3] =	stream.indirect_vreg.gather [hbm4b:s1+s3], $0x80, v4, vm0, $0xb8;
	[tilespmem:$0x15900] =	vst v63  }
0x79: {  	s2 =	rddreg [dreg:$0xd];
	s0 =	simm.s32 @!p0 $0xE  }
0x7a: {  	[tilespmem:s2], [sflag:$0x3] =	stream.indirect_vreg.gather [hbm4b:s1+s3], $0x80, v3, vm0, $0xb8;
	[tilespmem:$0x15900] =	vst v63  }
0x7b: {  	_ =	swait.ge @!p0 [sflag:s0], $0x2000  }
0x7c: {  	[sflag:s0] =	ssyncset.done @!p0 $0x0  }
0x7d: {  	[sflag:s0] =	ssyncadd.s32 @!p0 $0xFFFFE000  }
0x7e: {  	v3 =	vld [tilespmem:s30+$0xFFFFFFC0];
	_ =	sdelay $0x4  }
0x7f: {  	v50 =	vshll.u32 v3, $0x1  }
0x80: {  	v3 =	vand.u32 $0x7, v3;
	v4 =	vand.u32 $0xFFFFFFF0, v50  }
0x81: {  	v3 =	vor.u32 v3, v4  }
0x82: {  	v4 =	vperm.xlane v3, v0;
	_ =	sdelay $0x1  }
0x83: {  	v3 =	vperm.xlane v3, v2;
	v4 =	vadd.s32 v1, v4;
	_ =	sdelay $0x1  }
0x84: {  	v3 =	vadd.s32 v1, v3;
	_ =	sdelay $0x2  }
0x85: {  	[tilespmem:s10], [sflag:$0x4] =	stream.indirect_vreg.gather [hbm4b:s1+s3], $0x80, v4, vm0, $0xb8;
	[tilespmem:$0x15900] =	vst v63  }
0x86: {  	s2 =	rddreg [dreg:$0xe]  }
0x87: {  	[tilespmem:s2], [sflag:$0x4] =	stream.indirect_vreg.gather [hbm4b:s1+s3], $0x80, v3, vm0, $0xb8;
	[tilespmem:$0x15900] =	vst v63  }
0x88: {  	v3 =	vld [tilespmem:s30+$0xFFFFFFD0];
	_ =	sdelay $0x4  }
0x89: {  	v51 =	vshll.u32 v3, $0x1  }
0x8a: {  	v3 =	vand.u32 $0x7, v3;
	v4 =	vand.u32 $0xFFFFFFF0, v51  }
0x8b: {  	v3 =	vor.u32 v3, v4  }
0x8c: {  	v4 =	vperm.xlane v3, v0;
	_ =	sdelay $0x1  }
0x8d: {  	v3 =	vperm.xlane v3, v2;
	v4 =	vadd.s32 v1, v4;
	_ =	sdelay $0x1  }
0x8e: {  	v3 =	vadd.s32 v1, v3;
	_ =	sdelay $0x1  }
0x8f: {  	s0 =	rddreg [dreg:$0xf]  }
0x90: {  	[tilespmem:s0], [sflag:$0x4] =	stream.indirect_vreg.gather [hbm4b:s1+s3], $0x80, v4, vm0, $0xb8;
	[tilespmem:$0x15900] =	vst v63  }
0x91: {  	s2 =	rddreg [dreg:$0x10];
	s0 =	simm.s32 @!p0 $0xF  }
0x92: {  	[tilespmem:s2], [sflag:$0x4] =	stream.indirect_vreg.gather [hbm4b:s1+s3], $0x80, v3, vm0, $0xb8;
	[tilespmem:$0x15900] =	vst v63  }
0x93: {  	_ =	swait.ge @!p0 [sflag:s0], $0x2000  }
0x94: {  	[sflag:s0] =	ssyncset.done @!p0 $0x0  }
0x95: {  	[sflag:s0] =	ssyncadd.s32 @!p0 $0xFFFFE000  }
0x96: {  	v3 =	vld [tilespmem:s30+$0xFFFFFFE0];
	_ =	sdelay $0x4  }
0x97: {  	v52 =	vshll.u32 v3, $0x1  }
0x98: {  	v3 =	vand.u32 $0x7, v3;
	v4 =	vand.u32 $0xFFFFFFF0, v52  }
0x99: {  	v3 =	vor.u32 v3, v4  }
0x9a: {  	v4 =	vperm.xlane v3, v0;
	_ =	sdelay $0x1  }
0x9b: {  	v3 =	vperm.xlane v3, v2;
	v4 =	vadd.s32 v1, v4;
	_ =	sdelay $0x1  }
0x9c: {  	v3 =	vadd.s32 v1, v3;
	_ =	sdelay $0x2  }
0x9d: {  	[tilespmem:s11], [sflag:$0x5] =	stream.indirect_vreg.gather [hbm4b:s1+s3], $0x80, v4, vm0, $0xb8;
	[tilespmem:$0x15900] =	vst v63  }
0x9e: {  	s2 =	rddreg [dreg:$0x11]  }
0x9f: {  	[tilespmem:s2], [sflag:$0x5] =	stream.indirect_vreg.gather [hbm4b:s1+s3], $0x80, v3, vm0, $0xb8;
	[tilespmem:$0x15900] =	vst v63  }
0xa0: {  	v3 =	vld [tilespmem:s30+$0xFFFFFFF0];
	_ =	sdelay $0x4  }
0xa1: {  	v53 =	vshll.u32 v3, $0x1  }
0xa2: {  	v3 =	vand.u32 $0x7, v3;
	v4 =	vand.u32 $0xFFFFFFF0, v53  }
0xa3: {  	v3 =	vor.u32 v3, v4  }
0xa4: {  	v4 =	vperm.xlane v3, v0;
	_ =	sdelay $0x1  }
0xa5: {  	v3 =	vperm.xlane v3, v2;
	v4 =	vadd.s32 v1, v4;
	_ =	sdelay $0x1  }
0xa6: {  	v3 =	vadd.s32 v1, v3;
	_ =	sdelay $0x1  }
0xa7: {  	s0 =	rddreg [dreg:$0x12]  }
0xa8: {  	[tilespmem:s0], [sflag:$0x5] =	stream.indirect_vreg.gather [hbm4b:s1+s3], $0x80, v4, vm0, $0xb8;
	[tilespmem:$0x15900] =	vst v63  }
0xa9: {  	s2 =	rddreg [dreg:$0x13];
	s0 =	simm.s32 @!p0 $0x10  }
0xaa: {  	[tilespmem:s2], [sflag:$0x5] =	stream.indirect_vreg.gather [hbm4b:s1+s3], $0x80, v3, vm0, $0xb8;
	[tilespmem:$0x15900] =	vst v63  }
0xab: {  	_ =	swait.ge @!p0 [sflag:s0], $0x2000  }
0xac: {  	[sflag:s0] =	ssyncset.done @!p0 $0x0  }
0xad: {  	[sflag:s0] =	ssyncadd.s32 @!p0 $0xFFFFE000  }
0xae: {  	v3 =	vld [tilespmem:s30+$0x0];
	_ =	sdelay $0x4  }
0xaf: {  	v54 =	vshll.u32 v3, $0x1  }
0xb0: {  	v3 =	vand.u32 $0x7, v3;
	v4 =	vand.u32 $0xFFFFFFF0, v54  }
0xb1: {  	v3 =	vor.u32 v3, v4  }
0xb2: {  	v4 =	vperm.xlane v3, v0;
	_ =	sdelay $0x1  }
0xb3: {  	v3 =	vperm.xlane v3, v2;
	v4 =	vadd.s32 v1, v4;
	_ =	sdelay $0x1  }
0xb4: {  	v3 =	vadd.s32 v1, v3;
	_ =	sdelay $0x2  }
0xb5: {  	[tilespmem:s12], [sflag:$0x6] =	stream.indirect_vreg.gather [hbm4b:s1+s3], $0x80, v4, vm0, $0xb8;
	[tilespmem:$0x15900] =	vst v63  }
0xb6: {  	s2 =	rddreg [dreg:$0x14]  }
0xb7: {  	[tilespmem:s2], [sflag:$0x6] =	stream.indirect_vreg.gather [hbm4b:s1+s3], $0x80, v3, vm0, $0xb8;
	[tilespmem:$0x15900] =	vst v63  }
0xb8: {  	v3 =	vld [tilespmem:s30+$0x10];
	_ =	sdelay $0x4  }
0xb9: {  	v55 =	vshll.u32 v3, $0x1  }
0xba: {  	v3 =	vand.u32 $0x7, v3;
	v4 =	vand.u32 $0xFFFFFFF0, v55  }
0xbb: {  	v3 =	vor.u32 v3, v4  }
0xbc: {  	v4 =	vperm.xlane v3, v0;
	_ =	sdelay $0x1  }
0xbd: {  	v3 =	vperm.xlane v3, v2;
	v4 =	vadd.s32 v1, v4;
	_ =	sdelay $0x1  }
0xbe: {  	v3 =	vadd.s32 v1, v3;
	_ =	sdelay $0x1  }
0xbf: {  	s0 =	rddreg [dreg:$0x15]  }
0xc0: {  	[tilespmem:s0], [sflag:$0x6] =	stream.indirect_vreg.gather [hbm4b:s1+s3], $0x80, v4, vm0, $0xb8;
	[tilespmem:$0x15900] =	vst v63  }
0xc1: {  	s2 =	rddreg [dreg:$0x16];
	s0 =	simm.s32 @!p0 $0x11  }
0xc2: {  	[tilespmem:s2], [sflag:$0x6] =	stream.indirect_vreg.gather [hbm4b:s1+s3], $0x80, v3, vm0, $0xb8;
	[tilespmem:$0x15900] =	vst v63  }
0xc3: {  	_ =	swait.ge @!p0 [sflag:s0], $0x2000  }
0xc4: {  	[sflag:s0] =	ssyncset.done @!p0 $0x0  }
0xc5: {  	[sflag:s0] =	ssyncadd.s32 @!p0 $0xFFFFE000  }
0xc6: {  	v3 =	vld [tilespmem:s30+$0x20];
	_ =	sdelay $0x4  }
0xc7: {  	v56 =	vshll.u32 v3, $0x1  }
0xc8: {  	v3 =	vand.u32 $0x7, v3;
	v4 =	vand.u32 $0xFFFFFFF0, v56  }
0xc9: {  	v3 =	vor.u32 v3, v4  }
0xca: {  	v4 =	vperm.xlane v3, v0;
	_ =	sdelay $0x1  }
0xcb: {  	v3 =	vperm.xlane v3, v2;
	v4 =	vadd.s32 v1, v4;
	_ =	sdelay $0x1  }
0xcc: {  	v3 =	vadd.s32 v1, v3;
	_ =	sdelay $0x2  }
0xcd: {  	[tilespmem:s13], [sflag:$0x7] =	stream.indirect_vreg.gather [hbm4b:s1+s3], $0x80, v4, vm0, $0xb8;
	[tilespmem:$0x15900] =	vst v63  }
0xce: {  	s2 =	rddreg [dreg:$0x17]  }
0xcf: {  	[tilespmem:s2], [sflag:$0x7] =	stream.indirect_vreg.gather [hbm4b:s1+s3], $0x80, v3, vm0, $0xb8;
	[tilespmem:$0x15900] =	vst v63  }
0xd0: {  	v3 =	vld [tilespmem:s30+$0x30];
	_ =	sdelay $0x4  }
0xd1: {  	v57 =	vshll.u32 v3, $0x1  }
0xd2: {  	v3 =	vand.u32 $0x7, v3;
	v4 =	vand.u32 $0xFFFFFFF0, v57  }
0xd3: {  	v3 =	vor.u32 v3, v4  }
0xd4: {  	v4 =	vperm.xlane v3, v0;
	_ =	sdelay $0x1  }
0xd5: {  	v3 =	vperm.xlane v3, v2;
	v4 =	vadd.s32 v1, v4;
	_ =	sdelay $0x1  }
0xd6: {  	v3 =	vadd.s32 v1, v3;
	_ =	sdelay $0x1  }
0xd7: {  	s0 =	rddreg [dreg:$0x18]  }
0xd8: {  	[tilespmem:s0], [sflag:$0x7] =	stream.indirect_vreg.gather [hbm4b:s1+s3], $0x80, v4, vm0, $0xb8;
	[tilespmem:$0x15900] =	vst v63  }
0xd9: {  	s2 =	rddreg [dreg:$0x19];
	s0 =	simm.s32 @!p0 $0x12  }
0xda: {  	[tilespmem:s2], [sflag:$0x7] =	stream.indirect_vreg.gather [hbm4b:s1+s3], $0x80, v3, vm0, $0xb8;
	[tilespmem:$0x15900] =	vst v63  }
0xdb: {  	_ =	swait.ge @!p0 [sflag:s0], $0x2000  }
0xdc: {  	[sflag:s0] =	ssyncset.done @!p0 $0x0  }
0xdd: {  	[sflag:s0] =	ssyncadd.s32 @!p0 $0xFFFFE000  }
0xde: {  	v3 =	vld [tilespmem:s30+$0x40];
	_ =	sdelay $0x4  }
0xdf: {  	v58 =	vshll.u32 v3, $0x1  }
0xe0: {  	v3 =	vand.u32 $0x7, v3;
	v4 =	vand.u32 $0xFFFFFFF0, v58  }
0xe1: {  	v3 =	vor.u32 v3, v4  }
0xe2: {  	v4 =	vperm.xlane v3, v0;
	_ =	sdelay $0x1  }
0xe3: {  	v3 =	vperm.xlane v3, v2;
	v4 =	vadd.s32 v1, v4;
	_ =	sdelay $0x1  }
0xe4: {  	v3 =	vadd.s32 v1, v3;
	_ =	sdelay $0x2  }
0xe5: {  	[tilespmem:s14], [sflag:$0x8] =	stream.indirect_vreg.gather [hbm4b:s1+s3], $0x80, v4, vm0, $0xb8;
	[tilespmem:$0x15900] =	vst v63  }
0xe6: {  	s2 =	rddreg [dreg:$0x1a]  }
0xe7: {  	[tilespmem:s2], [sflag:$0x8] =	stream.indirect_vreg.gather [hbm4b:s1+s3], $0x80, v3, vm0, $0xb8;
	[tilespmem:$0x15900] =	vst v63  }
0xe8: {  	v3 =	vld [tilespmem:s30+$0x50];
	_ =	sdelay $0x4  }
0xe9: {  	v59 =	vshll.u32 v3, $0x1  }
0xea: {  	v3 =	vand.u32 $0x7, v3;
	v4 =	vand.u32 $0xFFFFFFF0, v59  }
0xeb: {  	v3 =	vor.u32 v3, v4  }
0xec: {  	v4 =	vperm.xlane v3, v0;
	_ =	sdelay $0x1  }
0xed: {  	v3 =	vperm.xlane v3, v2;
	v4 =	vadd.s32 v1, v4;
	_ =	sdelay $0x1  }
0xee: {  	v3 =	vadd.s32 v1, v3;
	_ =	sdelay $0x1  }
0xef: {  	s0 =	rddreg [dreg:$0x1b]  }
0xf0: {  	[tilespmem:s0], [sflag:$0x8] =	stream.indirect_vreg.gather [hbm4b:s1+s3], $0x80, v4, vm0, $0xb8;
	[tilespmem:$0x15900] =	vst v63  }
0xf1: {  	s2 =	rddreg [dreg:$0x1c];
	s0 =	simm.s32 @!p0 $0x13  }
0xf2: {  	[tilespmem:s2], [sflag:$0x8] =	stream.indirect_vreg.gather [hbm4b:s1+s3], $0x80, v3, vm0, $0xb8;
	[tilespmem:$0x15900] =	vst v63  }
0xf3: {  	_ =	swait.ge @!p0 [sflag:s0], $0x2000  }
0xf4: {  	[sflag:s0] =	ssyncset.done @!p0 $0x0  }
0xf5: {  	[sflag:s0] =	ssyncadd.s32 @!p0 $0xFFFFE000  }
0xf6: {  	v3 =	vld [tilespmem:s30+$0x60];
	_ =	sdelay $0x4  }
0xf7: {  	v60 =	vshll.u32 v3, $0x1  }
0xf8: {  	v3 =	vand.u32 $0x7, v3;
	v4 =	vand.u32 $0xFFFFFFF0, v60  }
0xf9: {  	v3 =	vor.u32 v3, v4  }
0xfa: {  	v4 =	vperm.xlane v3, v0;
	_ =	sdelay $0x1  }
0xfb: {  	v3 =	vperm.xlane v3, v2;
	v4 =	vadd.s32 v1, v4;
	_ =	sdelay $0x1  }
0xfc: {  	v3 =	vadd.s32 v1, v3;
	_ =	sdelay $0x2  }
0xfd: {  	[tilespmem:s15], [sflag:$0x9] =	stream.indirect_vreg.gather [hbm4b:s1+s3], $0x80, v4, vm0, $0xb8;
	[tilespmem:$0x15900] =	vst v63  }
0xfe: {  	s2 =	rddreg [dreg:$0x1d]  }
0xff: {  	[tilespmem:s2], [sflag:$0x9] =	stream.indirect_vreg.gather [hbm4b:s1+s3], $0x80, v3, vm0, $0xb8;
	[tilespmem:$0x15900] =	vst v63  }
0x100: {  	v3 =	vld [tilespmem:s30+$0x70];
	_ =	sdelay $0x4  }
0x101: {  	v61 =	vshll.u32 v3, $0x1  }
0x102: {  	v3 =	vand.u32 $0x7, v3;
	v4 =	vand.u32 $0xFFFFFFF0, v61  }
0x103: {  	v3 =	vor.u32 v3, v4  }
0x104: {  	v4 =	vperm.xlane v3, v0;
	_ =	sdelay $0x1  }
0x105: {  	v3 =	vperm.xlane v3, v2;
	v4 =	vadd.s32 v1, v4;
	_ =	sdelay $0x1  }
0x106: {  	v3 =	vadd.s32 v1, v3;
	_ =	sdelay $0x1  }
0x107: {  	s0 =	rddreg [dreg:$0x1e]  }
0x108: {  	[tilespmem:s0], [sflag:$0x9] =	stream.indirect_vreg.gather [hbm4b:s1+s3], $0x80, v4, vm0, $0xb8;
	[tilespmem:$0x15900] =	vst v63  }
0x109: {  	s2 =	rddreg [dreg:$0x1f];
	s0 =	simm.s32 @!p0 $0x14  }
0x10a: {  	[tilespmem:s2], [sflag:$0x9] =	stream.indirect_vreg.gather [hbm4b:s1+s3], $0x80, v3, vm0, $0xb8;
	[tilespmem:$0x15900] =	vst v63  }
0x10b: {  	_ =	swait.ge @!p0 [sflag:s0], $0x2000  }
0x10c: {  	[sflag:s0] =	ssyncset.done @!p0 $0x0  }
0x10d: {  	[sflag:s0] =	ssyncadd.s32 @!p0 $0xFFFFE000  }
0x10e: {  	v3 =	vld [tilespmem:s30+$0x80];
	_ =	sdelay $0x4  }
0x10f: {  	v62 =	vshll.u32 v3, $0x1  }
0x110: {  	v3 =	vand.u32 $0x7, v3;
	v4 =	vand.u32 $0xFFFFFFF0, v62  }
0x111: {  	v3 =	vor.u32 v3, v4  }
0x112: {  	v4 =	vperm.xlane v3, v0;
	_ =	sdelay $0x1  }
0x113: {  	v3 =	vperm.xlane v3, v2;
	v4 =	vadd.s32 v1, v4;
	_ =	sdelay $0x1  }
0x114: {  	v3 =	vadd.s32 v1, v3;
	_ =	sdelay $0x1  }
0x115: {  	s2 =	sld [smem:$0x7FB]  }
0x116: {  	[tilespmem:s16], [sflag:$0xA] =	stream.indirect_vreg.gather [hbm4b:s1+s3], $0x80, v4, vm0, $0xb8;
	[tilespmem:$0x15900] =	vst v63  }
0x117: {  	_ = 	snop  }
0x118: {  	[tilespmem:s2], [sflag:$0xA] =	stream.indirect_vreg.gather [hbm4b:s1+s3], $0x80, v3, vm0, $0xb8;
	[tilespmem:$0x15900] =	vst v63  }
0x119: {  	v3 =	vld [tilespmem:s30+$0x90];
	_ =	sdelay $0x4  }
0x11a: {  	v63 =	vshll.u32 v3, $0x1  }
0x11b: {  	v3 =	vand.u32 $0x7, v3;
	v4 =	vand.u32 $0xFFFFFFF0, v63  }
0x11c: {  	v3 =	vor.u32 v3, v4  }
0x11d: {  	v4 =	vperm.xlane v3, v0;
	_ =	sdelay $0x1  }
0x11e: {  	v3 =	vperm.xlane v3, v2;
	v4 =	vadd.s32 v1, v4;
	_ =	sdelay $0x1  }
0x11f: {  	s0 =	sld [smem:$0x7FC];
	v3 =	vadd.s32 v1, v3;
	_ =	sdelay $0x1  }
0x120: {  	s2 =	sld [smem:$0x7FD]  }
0x121: {  	[tilespmem:s0], [sflag:$0xA] =	stream.indirect_vreg.gather [hbm4b:s1+s3], $0x80, v4, vm0, $0xb8;
	[tilespmem:$0x15900] =	vst v63  }
0x122: {  	_ = 	snop  }
0x123: {  	[tilespmem:s2], [sflag:$0xA] =	stream.indirect_vreg.gather [hbm4b:s1+s3], $0x80, v3, vm0, $0xb8;
	[tilespmem:$0x15900] =	vst v63  }
0x124: {  	_ =	swait.ge [sflag:s17], $0x2000  }
0x125: {  	s2 =	rddreg [dreg:$0x4];
	[sflag:s17] =	ssyncset.done $0x0  }
0x126: {  	[sflag:s17] =	ssyncadd.s32 $0xFFFFE000;
	s0 =	sadd.s32 s31, s2  }
0x127: {  	[hbm4b:s0+s3] =	stream.linear.scatter [tilespmem:s7], [sflag:$0xB], $0x2000, $0x38;
	[tilespmem:$0x15900] =	vst v63  }
0x128: {  	_ =	swait.ge [sflag:s18], $0x2000  }
0x129: {  	[sflag:s18] =	ssyncset.done $0x0  }
0x12a: {  	s2 =	sadd.s32 $0x400, s0;
	[sflag:s18] =	ssyncadd.s32 $0xFFFFE000  }
0x12b: {  	[hbm4b:s2+s3] =	stream.linear.scatter [tilespmem:s8], [sflag:$0xC], $0x2000, $0x38;
	[tilespmem:$0x15900] =	vst v63  }
0x12c: {  	_ =	swait.ge [sflag:s19], $0x2000  }
0x12d: {  	[sflag:s19] =	ssyncset.done $0x0  }
0x12e: {  	s2 =	sadd.s32 $0x800, s0;
	[sflag:s19] =	ssyncadd.s32 $0xFFFFE000  }
0x12f: {  	[hbm4b:s2+s3] =	stream.linear.scatter [tilespmem:s9], [sflag:$0xD], $0x2000, $0x38;
	[tilespmem:$0x15900] =	vst v63  }
0x130: {  	_ =	swait.ge [sflag:s20], $0x2000  }
0x131: {  	[sflag:s20] =	ssyncset.done $0x0  }
0x132: {  	s2 =	sadd.s32 $0xC00, s0;
	[sflag:s20] =	ssyncadd.s32 $0xFFFFE000  }
0x133: {  	[hbm4b:s2+s3] =	stream.linear.scatter [tilespmem:s10], [sflag:$0xE], $0x2000, $0x38;
	[tilespmem:$0x15900] =	vst v63  }
0x134: {  	_ =	swait.ge [sflag:s21], $0x2000  }
0x135: {  	[sflag:s21] =	ssyncset.done $0x0  }
0x136: {  	s2 =	sadd.s32 $0x1000, s0;
	[sflag:s21] =	ssyncadd.s32 $0xFFFFE000  }
0x137: {  	[hbm4b:s2+s3] =	stream.linear.scatter [tilespmem:s11], [sflag:$0xF], $0x2000, $0x38;
	[tilespmem:$0x15900] =	vst v63  }
0x138: {  	_ =	swait.ge [sflag:s22], $0x2000  }
0x139: {  	[sflag:s22] =	ssyncset.done $0x0  }
0x13a: {  	s2 =	sadd.s32 $0x1400, s0;
	[sflag:s22] =	ssyncadd.s32 $0xFFFFE000  }
0x13b: {  	[hbm4b:s2+s3] =	stream.linear.scatter [tilespmem:s12], [sflag:$0x10], $0x2000, $0x38;
	[tilespmem:$0x15900] =	vst v63  }
0x13c: {  	_ =	swait.ge [sflag:s23], $0x2000  }
0x13d: {  	[sflag:s23] =	ssyncset.done $0x0  }
0x13e: {  	s2 =	sadd.s32 $0x1800, s0;
	[sflag:s23] =	ssyncadd.s32 $0xFFFFE000  }
0x13f: {  	[hbm4b:s2+s3] =	stream.linear.scatter [tilespmem:s13], [sflag:$0x11], $0x2000, $0x38;
	[tilespmem:$0x15900] =	vst v63  }
0x140: {  	_ =	swait.ge [sflag:s24], $0x2000  }
0x141: {  	[sflag:s24] =	ssyncset.done $0x0  }
0x142: {  	s2 =	sadd.s32 $0x1C00, s0;
	[sflag:s24] =	ssyncadd.s32 $0xFFFFE000  }
0x143: {  	[hbm4b:s2+s3] =	stream.linear.scatter [tilespmem:s14], [sflag:$0x12], $0x2000, $0x38;
	[tilespmem:$0x15900] =	vst v63  }
0x144: {  	_ =	swait.ge [sflag:s25], $0x2000  }
0x145: {  	s31 =	sadd.s32 $0x2800, s31;
	[sflag:s25] =	ssyncset.done $0x0  }
0x146: {  	p0 =	sne.s32 s31, $0x32000;
	s2 =	sadd.s32 $0x2000, s0;
	[sflag:s25] =	ssyncadd.s32 $0xFFFFE000  }
0x147: {  	[hbm4b:s2+s3] =	stream.linear.scatter [tilespmem:s15], [sflag:$0x13], $0x2000, $0x38;
	[tilespmem:$0x15900] =	vst v63  }
.Ltmp0:
0x148: {  	_ = 	snop;
	(pc) =	sbr.rel @p0 .LBB2_2-.Ltmp0, $4  }
0x149: {  	_ =	swait.ge [sflag:s26], $0x2000  }
0x14a: {  	[sflag:s26] =	ssyncset.done $0x0  }
0x14b: {  	s30 =	sadd.s32 $0x140, s30;
	s0 =	sadd.s32 $0x2400, s0;
	[sflag:s26] =	ssyncadd.s32 $0xFFFFE000  }
0x14c: {  	[hbm4b:s0+s3] =	stream.linear.scatter [tilespmem:s16], [sflag:$0x14], $0x2000, $0x38;
	[tilespmem:$0x15900] =	vst v63  }
0x14d: {  	s0 =	simm.s32 $0xB  }
0x14e: {  	_ =	swait.ge [sflag:s0], $0x2000  }
0x14f: {  	[sflag:s0] =	ssyncset.done $0x0  }
0x150: {  	s2 =	simm.s32 $0xC;
	[sflag:s0] =	ssyncadd.s32 $0xFFFFE000  }
0x151: {  	_ =	swait.ge [sflag:s2], $0x2000  }
0x152: {  	[sflag:s2] =	ssyncset.done $0x0  }
0x153: {  	s30 =	simm.s32 $0xD;
	[sflag:s2] =	ssyncadd.s32 $0xFFFFE000  }
0x154: {  	_ =	swait.ge [sflag:s30], $0x2000  }
0x155: {  	[sflag:s30] =	ssyncset.done $0x0  }
0x156: {  	s31 =	simm.s32 $0xE;
	[sflag:s30] =	ssyncadd.s32 $0xFFFFE000  }
0x157: {  	_ =	swait.ge [sflag:s31], $0x2000  }
0x158: {  	[sflag:s31] =	ssyncset.done $0x0  }
0x159: {  	s2 =	simm.s32 $0xF;
	[sflag:s31] =	ssyncadd.s32 $0xFFFFE000  }
0x15a: {  	_ =	swait.ge [sflag:s2], $0x2000  }
0x15b: {  	[sflag:s2] =	ssyncset.done $0x0  }
0x15c: {  	s30 =	simm.s32 $0x10;
	[sflag:s2] =	ssyncadd.s32 $0xFFFFE000  }
0x15d: {  	_ =	swait.ge [sflag:s30], $0x2000  }
0x15e: {  	[sflag:s30] =	ssyncset.done $0x0  }
0x15f: {  	[sflag:s30] =	ssyncadd.s32 $0xFFFFE000  }
0x160: {  	_ =	swait.ge [sflag:s4], $0x2000  }
0x161: {  	[sflag:s4] =	ssyncset.done $0x0  }
0x162: {  	[sflag:s4] =	ssyncadd.s32 $0xFFFFE000  }
0x163: {  	_ =	swait.ge [sflag:s5], $0x2000  }
0x164: {  	[sflag:s5] =	ssyncset.done $0x0  }
0x165: {  	[sflag:s5] =	ssyncadd.s32 $0xFFFFE000  }
0x166: {  	_ =	swait.ge [sflag:s6], $0x2000  }
0x167: {  	[sflag:s6] =	ssyncset.done $0x0  }
0x168: {  	[sflag:s6] =	ssyncadd.s32 $0xFFFFE000  }
0x169: {  	_ =	swait.ge [sflag:s28], $0x2000  }
0x16a: {  	s31 =	sld [smem:$0x7FA];
	_ =	sdelay $0x1  }
0x16b: {  	s29 =	sadd.s32 $0x1, s29  }
0x16c: {  	p0 =	sne.s32 s29, s31  }
.Ltmp1:
0x16d: {  	_ = 	snop;
	(pc) =	sbr.rel @p0 .LBB2_1-.Ltmp1, $3  }
0x16e: {  	_ =	sdelay $0x1  }
0x16f: {  	[sflag:s28] =	ssyncset.done $0x0  }
0x170: {  	[sflag:s28] =	ssyncadd.s32 $0xFFFFE000  }
0x171: {  	_ =	sfence.sel $0x180000  }
0x172: {  	[bflag:$0x0] =	sbarrier.arrive $0xFFFF  }
0x173: {  	_ =	strace $0x90000047  }
0x174: {  	s0 =	stileid.u32;
	[bflag:$0x2] =	sbarrier.arrive $0xFFFF  }
0x175: {  	p0 =	sne.s32 s0, $0x0;
	s0 =	rddreg [dreg:$0x3]  }
0x176: {  	s0 =	sadd.s32 @!p0 $0x100000, s0  }
0x177: {  	[sflag:s0] =	ssyncadd.tile.s32 @!p0 $0x1;
	_ =	shalt  }
.Lfunc_end2:
_tile_overlayer_lowered:
.L_overlay_start_2:
0x178: {  	(tag) =	ssettag $0x2  }
0x179: {  	s0 =	rddreg [dreg:$0x0];
	s2 =	stileid.u32  }
0x17a: {  	s1 =	rddreg [dreg:$0x1];
	p0 =	sne.s32 s2, $0x0  }
0x17b: {  	s3 =	rddreg [dreg:$0x2];
	[bflag:$0x3] =	sbarrier.arrive $0xFFFF;
	s2 =	simm.s32 @!p0 $0x1C16  }
0x17c: {  	[timem:s3], [sflag:s2] =	dma.local @!p0 [hbm:s0], s1  }
0x17d: {  	s0 =	simm.s32 @!p0 $0x16  }
0x17e: {  	_ =	swait.ge @!p0 [sflag:s0], s1  }
0x17f: {  	s1 =	ssub.s32 @!p0 $0x0, s1;
	[sflag:s0] =	ssyncset.done @!p0 $0x0  }
0x180: {  	[sflag:s0] =	ssyncadd.s32 @!p0 s1  }
0x181: {  	[bflag:$0x3] =	sbarrier.arrive $0xFFFF  }
0x182: {  	_ =	shalt  }

</sc_bundles>
